<compile_context>
chip_gen: v7x
topology: tpu7x:2x2x1
jax: 0.10.2.dev20260603
libtpu: 0.0.44.dev20260713+nightly
codegen_flags: <defaults>
</compile_context>

<pallas_src>
import functools

import jax
import jax.numpy as jnp
from jax import lax
from jax.experimental import pallas as pl
from jax.experimental.pallas import tpu as pltpu
from jax.experimental.pallas import tpu_sc as plsc

_SEQ = 100000
_J = 75
_D = 3 * _J
_LANES = 16
_WIN = 256
_BMAX = (_SEQ // 128) * 128 - 128
_NTILES = 15

_mesh = plsc.VectorSubcoreMesh(
    core_axis_name="c", subcore_axis_name="s", num_cores=1, num_subcores=16
)


@functools.partial(
    pl.kernel,
    out_type=jax.ShapeDtypeStruct((_NTILES * _LANES,), jnp.float32),
    mesh=_mesh,
    scratch_types=[
        pltpu.VMEM((_LANES,), jnp.float32),
        pltpu.VMEM((1, _LANES, _WIN), jnp.float32),
        pltpu.VMEM((_LANES,), jnp.float32),
        pltpu.VMEM((_LANES * 2 * _LANES,), jnp.float32),
        pltpu.SemaphoreType.DMA,
    ],
)
def _spline_sc(time_hbm, table_hbm, out_hbm, time_v, win_v, res_v, red_v, sem):
    wid = jnp.minimum(lax.axis_index("s"), _NTILES - 1)

    if True:
        lane = lax.iota(jnp.int32, _LANES)
        d = wid // 5
        j0 = pl.multiple_of((wid % 5) * _LANES, _LANES)

        pltpu.sync_copy(time_hbm, time_v.at[pl.ds(0, 1)])
        t = time_v[...][0]
        scaled = jnp.clip(t, 0.0, 1.0) * jnp.float32(_SEQ - 1)
        i_rn = scaled.astype(jnp.int32)
        i = i_rn - (i_rn.astype(jnp.float32) > scaled).astype(jnp.int32)
        s = scaled - i.astype(jnp.float32)

        b0 = jnp.clip(i - 1, 0, _SEQ - 1)
        base = jnp.minimum((b0 // 128) * 128, _BMAX)
        base = pl.multiple_of(base, 128)
        win_copy = pltpu.async_copy(
            table_hbm.at[pl.ds(d, 1), pl.ds(j0, _LANES), pl.ds(base, _WIN)],
            win_v,
            sem,
        )

        s2 = s * s
        s3 = s2 * s
        w = [
            0.5 * (-s + 2.0 * s2 - s3),
            0.5 * (2.0 - 5.0 * s2 + 3.0 * s3),
            0.5 * (s + 4.0 * s2 - 3.0 * s3),
            0.5 * (-s2 + s3),
        ]
        col = [jnp.clip(i + (k - 1), 0, _SEQ - 1) - base for k in range(4)]

        c0 = col[0]
        off = pl.multiple_of((c0 // _LANES) * _LANES, _LANES)
        zeros = jnp.zeros((_LANES,), jnp.float32)
        clo = off + lane
        chi = clo + _LANES
        wlo = zeros
        whi = zeros
        for k in range(4):
            wlo = wlo + jnp.where(clo == col[k], w[k], 0.0)
            whi = whi + jnp.where(chi == col[k], w[k], 0.0)
        hi_used = whi != 0.0

        win_copy.wait()
        res = zeros
        for jj in range(_LANES):
            vlo = win_v[0, jj, pl.ds(off, _LANES)]
            vhi = win_v[0, jj, pl.ds(off + _LANES, _LANES)]
            acc = vlo * wlo + jnp.where(hi_used, vhi * whi, 0.0)
            rbase = jj * 2 * _LANES
            for shift in (8, 4, 2, 1):
                red_v[pl.ds(rbase, _LANES)] = acc
                acc = acc + red_v[pl.ds(rbase + shift, _LANES)]
            res = jnp.where(lane == jj, acc[0], res)
        res_v[...] = res

        slot = pl.multiple_of(wid * _LANES, _LANES)
        pltpu.sync_copy(res_v, out_hbm.at[pl.ds(slot, _LANES)])

    plsc.subcore_barrier()


def kernel(time_point, control_points):
    table = control_points.transpose(2, 1, 0)
    flat = _spline_sc(time_point, table)
    return flat.reshape(3, 5 * _LANES)[:, :_J].transpose(1, 0).reshape(1, _J, 3)

# --- scband reference (transcript-rebuilt; emitter-appended) ---
"""Pipeline reference for scband-cubic-spline-trajectory-15582141349915 (READ-ONLY COPY).

The authoritative reference and input builder live on the scoring server;
editing this copy changes nothing except your own understanding.
"""

import jax, jax.numpy as jnp
import numpy as np

SEQUENCE_LENGTH = 100000
JOINTS = 75
SPATIAL_DIMS = 3
MAX_TIME = 1.0


def setup_inputs(seed: int = 0) -> dict:
    key = jax.random.key(seed)
    k1, k2 = jax.random.split(key)
    time_point = jax.random.uniform(k1, (1,), dtype=jnp.float32)
    control_points = jax.random.normal(k2, (SEQUENCE_LENGTH, JOINTS, SPATIAL_DIMS), dtype=jnp.float32) * 0.01
    return {"time_point": time_point, "control_points": control_points}


def reference(time_point, control_points):
    sequence_length = control_points.shape[0]
    normalized_time = jnp.clip(time_point / jax.lax.stop_gradient(jnp.asarray(MAX_TIME)), 0.0, 1.0)
    scaled_t = normalized_time * (sequence_length - 1)
    i = jnp.floor(scaled_t).astype(jnp.int32)
    s = scaled_t - i
    idx0 = jnp.clip(i - 1, 0, sequence_length - 1)
    idx1 = jnp.clip(i, 0, sequence_length - 1)
    idx2 = jnp.clip(i + 1, 0, sequence_length - 1)
    idx3 = jnp.clip(i + 2, 0, sequence_length - 1)
    p0 = jnp.take(control_points, idx0, axis=0)
    p1 = jnp.take(control_points, idx1, axis=0)
    p2 = jnp.take(control_points, idx2, axis=0)
    p3 = jnp.take(control_points, idx3, axis=0)
    s2 = s * s
    s3 = s2 * s
    pose = 0.5 * (2 * p1 + (-p0 + p2) * s + (2 * p0 - 5 * p1 + 4 * p2 - p3) * s2 + (-p0 + 3 * p1 - 3 * p2 + p3) * s3)
    return pose

if __name__ == "__main__":
    import jax
    _d = setup_inputs()
    print(jax.jit(kernel)(*tuple(_d.values())))

</pallas_src>

<mosaic_0001>
#map = affine_map<(d0, d1) -> (0)>
#map1 = affine_map<(d0, d1) -> (0, 0, 0)>
module attributes {stable_mosaic.version = 14 : i64} {
  func.func @_spline_sc(%arg0: i32, %arg1: i32, %arg2: memref<1xf32, #tpu.memory_space<hbm>>, %arg3: memref<3x75x100000xf32, #tpu.memory_space<hbm>>, %arg4: memref<240xf32, #tpu.memory_space<hbm>>, %arg5: memref<16xf32, #tpu.memory_space<vmem>>, %arg6: memref<1x16x256xf32, #tpu.memory_space<vmem>>, %arg7: memref<16xf32, #tpu.memory_space<vmem>>, %arg8: memref<512xf32, #tpu.memory_space<vmem>>, %arg9: memref<!tpu.dma_semaphore, #tpu.memory_space<semaphore_mem>>) attributes {dimension_semantics = [#tpu.dimension_semantics<core_parallel>, #tpu.dimension_semantics<subcore_parallel>], iteration_bounds = array<i64: 1, 16>, scalar_prefetch = 0 : i64, scratch_operands = 5 : i64, tpu.core_type = #tpu.core_type<sc_vector_subcore>, window_params = [{transform_indices = #map}, {transform_indices = #map1}, {transform_indices = #map}]} {
    %min3A = arith.constant 14 : i32
    %min3A_0 = arith.minsi %arg1, %min3A : i32
    %iota3A = tpu.iota {dimensions = array<i32: 0>} : vector<16xi32>
    %jit3A = arith.constant 5 : i32
    %div3A = arith.divsi %min3A_0, %jit3A : i32
    %sign3A = arith.constant 0 : i32
    %sign3A_1 = arith.cmpi sgt, %min3A_0, %sign3A : i32
    %sign3A_2 = arith.extui %sign3A_1 : i1 to i32
    %sign3A_3 = arith.constant 0 : i32
    %sign3A_4 = arith.cmpi slt, %min3A_0, %sign3A_3 : i32
    %sign3A_5 = arith.extui %sign3A_4 : i1 to i32
    %sign3A_6 = arith.subi %sign3A_2, %sign3A_5 : i32
    %sign3A_7 = arith.constant 0 : i32
    %sign3A_8 = arith.cmpi sgt, %jit3A, %sign3A_7 : i32
    %sign3A_9 = arith.extui %sign3A_8 : i1 to i32
    %sign3A_10 = arith.constant 0 : i32
    %sign3A_11 = arith.cmpi slt, %jit3A, %sign3A_10 : i32
    %sign3A_12 = arith.extui %sign3A_11 : i1 to i32
    %sign3A_13 = arith.subi %sign3A_9, %sign3A_12 : i32
    %ne3A = arith.cmpi ne, %sign3A_6, %sign3A_13 : i32
    %rem3A = arith.remsi %min3A_0, %jit3A : i32
    %ne3A_14 = arith.constant 0 : i32
    %ne3A_15 = arith.cmpi ne, %rem3A, %ne3A_14 : i32
    %and3A = arith.andi %ne3A, %ne3A_15 : i1
    %sub3A = arith.constant 1 : i32
    %sub3A_16 = arith.subi %div3A, %sub3A : i32
    %select_n3A = arith.select %and3A, %sub3A_16, %div3A : i32
    %jit3A_17 = arith.constant 5 : i32
    %eq3A = arith.constant 0 : i32
    %eq3A_18 = arith.cmpi eq, %jit3A_17, %eq3A : i32
    %jit3A_19 = arith.constant 1 : i32
    %select_n3A_20 = arith.select %eq3A_18, %jit3A_19, %jit3A_17 : i32
    %rem3A_21 = arith.remsi %min3A_0, %select_n3A_20 : i32
    %ne3A_22 = arith.constant 0 : i32
    %ne3A_23 = arith.cmpi ne, %rem3A_21, %ne3A_22 : i32
    %lt3A = arith.constant 0 : i32
    %lt3A_24 = arith.cmpi slt, %rem3A_21, %lt3A : i32
    %lt3A_25 = arith.constant 0 : i32
    %lt3A_26 = arith.cmpi slt, %select_n3A_20, %lt3A_25 : i32
    %ne3A_27 = arith.xori %lt3A_24, %lt3A_26 : i1
    %and3A_28 = arith.andi %ne3A_27, %ne3A_23 : i1
    %add3A = arith.addi %rem3A_21, %select_n3A_20 : i32
    %select_n3A_29 = arith.select %and3A_28, %add3A, %rem3A_21 : i32
    %mul3A = arith.constant 16 : i32
    %mul3A_30 = arith.muli %select_n3A_29, %mul3A : i32
    %multiple_of3A = tpu.assume_multiple %mul3A_30, 16 : i32
    "tpu.region"() ({
      %run_scoped3A = tpu.sem_alloc : memref<!tpu.dma_semaphore, #tpu.memory_space<semaphore_mem>>
      %dma_start3A_1213 = arith.constant 0 : i32
      %dma_start3A_1214 = tpu.memref_slice %arg5[%dma_start3A_1213] : memref<16xf32, #tpu.memory_space<vmem>> -> memref<1xf32, #tpu.memory_space<vmem>>
      %dma_start3A_1215 = arith.constant 0 : i32
      %dma_start3A_1216 = tpu.memref_slice %arg5[%dma_start3A_1215] : memref<16xf32, #tpu.memory_space<vmem>> -> memref<1xf32, #tpu.memory_space<vmem>>
      tpu.enqueue_dma source(%arg2 : memref<1xf32, #tpu.memory_space<hbm>>) target(%dma_start3A_1216 : memref<1xf32, #tpu.memory_space<vmem>>) target_semaphore(%run_scoped3A : memref<!tpu.dma_semaphore, #tpu.memory_space<semaphore_mem>>)
      %dma_wait3A_1217 = arith.constant 0 : i32
      %dma_wait3A_1218 = tpu.memref_slice %arg5[%dma_wait3A_1217] : memref<16xf32, #tpu.memory_space<vmem>> -> memref<1xf32, #tpu.memory_space<vmem>>
      %dma_wait3A_1219 = arith.constant 0 : i32
      %dma_wait3A_1220 = tpu.memref_slice %arg5[%dma_wait3A_1219] : memref<16xf32, #tpu.memory_space<vmem>> -> memref<1xf32, #tpu.memory_space<vmem>>
      tpu.wait_dma2 semaphore(%run_scoped3A : memref<!tpu.dma_semaphore, #tpu.memory_space<semaphore_mem>>) src(%arg2 : memref<1xf32, #tpu.memory_space<hbm>>) dst(%dma_wait3A_1220 : memref<1xf32, #tpu.memory_space<vmem>>)
      tpu.yield
    }) : () -> ()
    %get3A = arith.constant 0 : index
    %get3A_31 = tpu.vector_load %arg5[%get3A] {strides = array<i32>} : memref<16xf32, #tpu.memory_space<vmem>>, vector<16xf32>,
    %get3A_32 = vector.shape_cast %get3A_31 : vector<16xf32> to vector<16xf32>
    %slice3A = vector.extract_strided_slice %get3A_32 {offsets = [0], sizes = [1], strides = [1]} : vector<16xf32> to vector<1xf32>
    %squeeze3A = vector.extract %slice3A[0] : f32 from vector<1xf32>
    %jit3A_33 = arith.constant 0.000000e+00 : f32
    %jit3A_34 = arith.constant 1.000000e+00 : f32
    %max3A = arith.maximumf %jit3A_33, %squeeze3A : f32
    %min3A_35 = arith.minimumf %jit3A_34, %max3A : f32
    %mul3A_36 = arith.constant 9.999900e+04 : f32
    %mul3A_37 = arith.mulf %min3A_35, %mul3A_36 : f32
    %convert_element_type3A = arith.fptosi %mul3A_37 : f32 to i32
    %convert_element_type3A_38 = arith.sitofp %convert_element_type3A : i32 to f32
    %gt3A = arith.cmpf ogt, %convert_element_type3A_38, %mul3A_37 : f32
    %convert_element_type3A_39 = arith.extui %gt3A : i1 to i32
    %sub3A_40 = arith.subi %convert_element_type3A, %convert_element_type3A_39 : i32
    %convert_element_type3A_41 = arith.sitofp %sub3A_40 : i32 to f32
    %sub3A_42 = arith.subf %mul3A_37, %convert_element_type3A_41 : f32
    %sub3A_43 = arith.constant 1 : i32
    %sub3A_44 = arith.subi %sub3A_40, %sub3A_43 : i32
    %jit3A_45 = arith.constant 0 : i32
    %jit3A_46 = arith.constant 99999 : i32
    %max3A_47 = arith.maxsi %jit3A_45, %sub3A_44 : i32
    %min3A_48 = arith.minsi %jit3A_46, %max3A_47 : i32
    %jit3A_49 = arith.constant 128 : i32
    %div3A_50 = arith.divsi %min3A_48, %jit3A_49 : i32
    %sign3A_51 = arith.constant 0 : i32
    %sign3A_52 = arith.cmpi sgt, %min3A_48, %sign3A_51 : i32
    %sign3A_53 = arith.extui %sign3A_52 : i1 to i32
    %sign3A_54 = arith.constant 0 : i32
    %sign3A_55 = arith.cmpi slt, %min3A_48, %sign3A_54 : i32
    %sign3A_56 = arith.extui %sign3A_55 : i1 to i32
    %sign3A_57 = arith.subi %sign3A_53, %sign3A_56 : i32
    %sign3A_58 = arith.constant 0 : i32
    %sign3A_59 = arith.cmpi sgt, %jit3A_49, %sign3A_58 : i32
    %sign3A_60 = arith.extui %sign3A_59 : i1 to i32
    %sign3A_61 = arith.constant 0 : i32
    %sign3A_62 = arith.cmpi slt, %jit3A_49, %sign3A_61 : i32
    %sign3A_63 = arith.extui %sign3A_62 : i1 to i32
    %sign3A_64 = arith.subi %sign3A_60, %sign3A_63 : i32
    %ne3A_65 = arith.cmpi ne, %sign3A_57, %sign3A_64 : i32
    %rem3A_66 = arith.remsi %min3A_48, %jit3A_49 : i32
    %ne3A_67 = arith.constant 0 : i32
    %ne3A_68 = arith.cmpi ne, %rem3A_66, %ne3A_67 : i32
    %and3A_69 = arith.andi %ne3A_65, %ne3A_68 : i1
    %sub3A_70 = arith.constant 1 : i32
    %sub3A_71 = arith.subi %div3A_50, %sub3A_70 : i32
    %select_n3A_72 = arith.select %and3A_69, %sub3A_71, %div3A_50 : i32
    %mul3A_73 = arith.constant 128 : i32
    %mul3A_74 = arith.muli %select_n3A_72, %mul3A_73 : i32
    %min3A_75 = arith.constant 99840 : i32
    %min3A_76 = arith.minsi %mul3A_74, %min3A_75 : i32
    %multiple_of3A_77 = tpu.assume_multiple %min3A_76, 128 : i32
    %dma_start3A = tpu.memref_slice %arg3[%select_n3A, %multiple_of3A, %multiple_of3A_77] : memref<3x75x100000xf32, #tpu.memory_space<hbm>> -> memref<1x16x256xf32, #tpu.memory_space<hbm>>
    %dma_start3A_78 = tpu.memref_slice %arg3[%select_n3A, %multiple_of3A, %multiple_of3A_77] : memref<3x75x100000xf32, #tpu.memory_space<hbm>> -> memref<1x16x256xf32, #tpu.memory_space<hbm>>
    tpu.enqueue_dma source(%dma_start3A_78 : memref<1x16x256xf32, #tpu.memory_space<hbm>>) target(%arg6 : memref<1x16x256xf32, #tpu.memory_space<vmem>>) target_semaphore(%arg9 : memref<!tpu.dma_semaphore, #tpu.memory_space<semaphore_mem>>)
    %mul3A_79 = arith.mulf %sub3A_42, %sub3A_42 : f32
    %mul3A_80 = arith.mulf %mul3A_79, %sub3A_42 : f32
    %neg3A = arith.constant 0.000000e+00 : f32
    %neg3A_81 = arith.subf %neg3A, %sub3A_42 : f32
    %mul3A_82 = arith.constant 2.000000e+00 : f32
    %mul3A_83 = arith.mulf %mul3A_82, %mul3A_79 : f32
    %add3A_84 = arith.addf %neg3A_81, %mul3A_83 : f32
    %sub3A_85 = arith.subf %add3A_84, %mul3A_80 : f32
    %mul3A_86 = arith.constant 5.000000e-01 : f32
    %mul3A_87 = arith.mulf %mul3A_86, %sub3A_85 : f32
    %mul3A_88 = arith.constant 5.000000e+00 : f32
    %mul3A_89 = arith.mulf %mul3A_88, %mul3A_79 : f32
    %sub3A_90 = arith.constant 2.000000e+00 : f32
    %sub3A_91 = arith.subf %sub3A_90, %mul3A_89 : f32
    %mul3A_92 = arith.constant 3.000000e+00 : f32
    %mul3A_93 = arith.mulf %mul3A_92, %mul3A_80 : f32
    %add3A_94 = arith.addf %sub3A_91, %mul3A_93 : f32
    %mul3A_95 = arith.constant 5.000000e-01 : f32
    %mul3A_96 = arith.mulf %mul3A_95, %add3A_94 : f32
    %mul3A_97 = arith.constant 4.000000e+00 : f32
    %mul3A_98 = arith.mulf %mul3A_97, %mul3A_79 : f32
    %add3A_99 = arith.addf %sub3A_42, %mul3A_98 : f32
    %mul3A_100 = arith.constant 3.000000e+00 : f32
    %mul3A_101 = arith.mulf %mul3A_100, %mul3A_80 : f32
    %sub3A_102 = arith.subf %add3A_99, %mul3A_101 : f32
    %mul3A_103 = arith.constant 5.000000e-01 : f32
    %mul3A_104 = arith.mulf %mul3A_103, %sub3A_102 : f32
    %neg3A_105 = arith.constant 0.000000e+00 : f32
    %neg3A_106 = arith.subf %neg3A_105, %mul3A_79 : f32
    %add3A_107 = arith.addf %neg3A_106, %mul3A_80 : f32
    %mul3A_108 = arith.constant 5.000000e-01 : f32
    %mul3A_109 = arith.mulf %mul3A_108, %add3A_107 : f32
    %add3A_110 = arith.constant -1 : i32
    %add3A_111 = arith.addi %sub3A_40, %add3A_110 : i32
    %jit3A_112 = arith.constant 0 : i32
    %jit3A_113 = arith.constant 99999 : i32
    %max3A_114 = arith.maxsi %jit3A_112, %add3A_111 : i32
    %min3A_115 = arith.minsi %jit3A_113, %max3A_114 : i32
    %sub3A_116 = arith.subi %min3A_115, %multiple_of3A_77 : i32
    %add3A_117 = arith.constant 0 : i32
    %add3A_118 = arith.addi %sub3A_40, %add3A_117 : i32
    %jit3A_119 = arith.constant 0 : i32
    %jit3A_120 = arith.constant 99999 : i32
    %max3A_121 = arith.maxsi %jit3A_119, %add3A_118 : i32
    %min3A_122 = arith.minsi %jit3A_120, %max3A_121 : i32
    %sub3A_123 = arith.subi %min3A_122, %multiple_of3A_77 : i32
    %add3A_124 = arith.constant 1 : i32
    %add3A_125 = arith.addi %sub3A_40, %add3A_124 : i32
    %jit3A_126 = arith.constant 0 : i32
    %jit3A_127 = arith.constant 99999 : i32
    %max3A_128 = arith.maxsi %jit3A_126, %add3A_125 : i32
    %min3A_129 = arith.minsi %jit3A_127, %max3A_128 : i32
    %sub3A_130 = arith.subi %min3A_129, %multiple_of3A_77 : i32
    %add3A_131 = arith.constant 2 : i32
    %add3A_132 = arith.addi %sub3A_40, %add3A_131 : i32
    %jit3A_133 = arith.constant 0 : i32
    %jit3A_134 = arith.constant 99999 : i32
    %max3A_135 = arith.maxsi %jit3A_133, %add3A_132 : i32
    %min3A_136 = arith.minsi %jit3A_134, %max3A_135 : i32
    %sub3A_137 = arith.subi %min3A_136, %multiple_of3A_77 : i32
    %jit3A_138 = arith.constant 16 : i32
    %div3A_139 = arith.divsi %sub3A_116, %jit3A_138 : i32
    %sign3A_140 = arith.constant 0 : i32
    %sign3A_141 = arith.cmpi sgt, %sub3A_116, %sign3A_140 : i32
    %sign3A_142 = arith.extui %sign3A_141 : i1 to i32
    %sign3A_143 = arith.constant 0 : i32
    %sign3A_144 = arith.cmpi slt, %sub3A_116, %sign3A_143 : i32
    %sign3A_145 = arith.extui %sign3A_144 : i1 to i32
    %sign3A_146 = arith.subi %sign3A_142, %sign3A_145 : i32
    %sign3A_147 = arith.constant 0 : i32
    %sign3A_148 = arith.cmpi sgt, %jit3A_138, %sign3A_147 : i32
    %sign3A_149 = arith.extui %sign3A_148 : i1 to i32
    %sign3A_150 = arith.constant 0 : i32
    %sign3A_151 = arith.cmpi slt, %jit3A_138, %sign3A_150 : i32
    %sign3A_152 = arith.extui %sign3A_151 : i1 to i32
    %sign3A_153 = arith.subi %sign3A_149, %sign3A_152 : i32
    %ne3A_154 = arith.cmpi ne, %sign3A_146, %sign3A_153 : i32
    %rem3A_155 = arith.remsi %sub3A_116, %jit3A_138 : i32
    %ne3A_156 = arith.constant 0 : i32
    %ne3A_157 = arith.cmpi ne, %rem3A_155, %ne3A_156 : i32
    %and3A_158 = arith.andi %ne3A_154, %ne3A_157 : i1
    %sub3A_159 = arith.constant 1 : i32
    %sub3A_160 = arith.subi %div3A_139, %sub3A_159 : i32
    %select_n3A_161 = arith.select %and3A_158, %sub3A_160, %div3A_139 : i32
    %mul3A_162 = arith.constant 16 : i32
    %mul3A_163 = arith.muli %select_n3A_161, %mul3A_162 : i32
    %multiple_of3A_164 = tpu.assume_multiple %mul3A_163, 16 : i32
    %broadcast_in_dim3A = arith.constant 0.000000e+00 : f32
    %broadcast_in_dim3A_165 = vector.broadcast %broadcast_in_dim3A : f32 to vector<16xf32>
    %add3A_166 = vector.broadcast %multiple_of3A_164 : i32 to vector<16xi32>
    %add3A_167 = arith.addi %add3A_166, %iota3A : vector<16xi32>
    %add3A_168 = arith.constant 16 : i32
    %add3A_169 = vector.broadcast %add3A_168 : i32 to vector<16xi32>
    %add3A_170 = arith.addi %add3A_167, %add3A_169 : vector<16xi32>
    %eq3A_171 = vector.broadcast %sub3A_116 : i32 to vector<16xi32>
    %eq3A_172 = arith.cmpi eq, %add3A_167, %eq3A_171 : vector<16xi32>
    %jit3A_173 = arith.constant 0.000000e+00 : f32
    %broadcast_in_dim3A_174 = vector.broadcast %mul3A_87 : f32 to vector<16xf32>
    %broadcast_in_dim3A_175 = vector.broadcast %jit3A_173 : f32 to vector<16xf32>
    %select_n3A_176 = arith.select %eq3A_172, %broadcast_in_dim3A_174, %broadcast_in_dim3A_175 : vector<16xi1>, vector<16xf32>
    %add3A_177 = arith.addf %broadcast_in_dim3A_165, %select_n3A_176 : vector<16xf32>
    %eq3A_178 = vector.broadcast %sub3A_116 : i32 to vector<16xi32>
    %eq3A_179 = arith.cmpi eq, %add3A_170, %eq3A_178 : vector<16xi32>
    %jit3A_180 = arith.constant 0.000000e+00 : f32
    %broadcast_in_dim3A_181 = vector.broadcast %mul3A_87 : f32 to vector<16xf32>
    %broadcast_in_dim3A_182 = vector.broadcast %jit3A_180 : f32 to vector<16xf32>
    %select_n3A_183 = arith.select %eq3A_179, %broadcast_in_dim3A_181, %broadcast_in_dim3A_182 : vector<16xi1>, vector<16xf32>
    %add3A_184 = arith.addf %broadcast_in_dim3A_165, %select_n3A_183 : vector<16xf32>
    %eq3A_185 = vector.broadcast %sub3A_123 : i32 to vector<16xi32>
    %eq3A_186 = arith.cmpi eq, %add3A_167, %eq3A_185 : vector<16xi32>
    %jit3A_187 = arith.constant 0.000000e+00 : f32
    %broadcast_in_dim3A_188 = vector.broadcast %mul3A_96 : f32 to vector<16xf32>
    %broadcast_in_dim3A_189 = vector.broadcast %jit3A_187 : f32 to vector<16xf32>
    %select_n3A_190 = arith.select %eq3A_186, %broadcast_in_dim3A_188, %broadcast_in_dim3A_189 : vector<16xi1>, vector<16xf32>
    %add3A_191 = arith.addf %add3A_177, %select_n3A_190 : vector<16xf32>
    %eq3A_192 = vector.broadcast %sub3A_123 : i32 to vector<16xi32>
    %eq3A_193 = arith.cmpi eq, %add3A_170, %eq3A_192 : vector<16xi32>
    %jit3A_194 = arith.constant 0.000000e+00 : f32
    %broadcast_in_dim3A_195 = vector.broadcast %mul3A_96 : f32 to vector<16xf32>
    %broadcast_in_dim3A_196 = vector.broadcast %jit3A_194 : f32 to vector<16xf32>
    %select_n3A_197 = arith.select %eq3A_193, %broadcast_in_dim3A_195, %broadcast_in_dim3A_196 : vector<16xi1>, vector<16xf32>
    %add3A_198 = arith.addf %add3A_184, %select_n3A_197 : vector<16xf32>
    %eq3A_199 = vector.broadcast %sub3A_130 : i32 to vector<16xi32>
    %eq3A_200 = arith.cmpi eq, %add3A_167, %eq3A_199 : vector<16xi32>
    %jit3A_201 = arith.constant 0.000000e+00 : f32
    %broadcast_in_dim3A_202 = vector.broadcast %mul3A_104 : f32 to vector<16xf32>
    %broadcast_in_dim3A_203 = vector.broadcast %jit3A_201 : f32 to vector<16xf32>
    %select_n3A_204 = arith.select %eq3A_200, %broadcast_in_dim3A_202, %broadcast_in_dim3A_203 : vector<16xi1>, vector<16xf32>
    %add3A_205 = arith.addf %add3A_191, %select_n3A_204 : vector<16xf32>
    %eq3A_206 = vector.broadcast %sub3A_130 : i32 to vector<16xi32>
    %eq3A_207 = arith.cmpi eq, %add3A_170, %eq3A_206 : vector<16xi32>
    %jit3A_208 = arith.constant 0.000000e+00 : f32
    %broadcast_in_dim3A_209 = vector.broadcast %mul3A_104 : f32 to vector<16xf32>
    %broadcast_in_dim3A_210 = vector.broadcast %jit3A_208 : f32 to vector<16xf32>
    %select_n3A_211 = arith.select %eq3A_207, %broadcast_in_dim3A_209, %broadcast_in_dim3A_210 : vector<16xi1>, vector<16xf32>
    %add3A_212 = arith.addf %add3A_198, %select_n3A_211 : vector<16xf32>
    %eq3A_213 = vector.broadcast %sub3A_137 : i32 to vector<16xi32>
    %eq3A_214 = arith.cmpi eq, %add3A_167, %eq3A_213 : vector<16xi32>
    %jit3A_215 = arith.constant 0.000000e+00 : f32
    %broadcast_in_dim3A_216 = vector.broadcast %mul3A_109 : f32 to vector<16xf32>
    %broadcast_in_dim3A_217 = vector.broadcast %jit3A_215 : f32 to vector<16xf32>
    %select_n3A_218 = arith.select %eq3A_214, %broadcast_in_dim3A_216, %broadcast_in_dim3A_217 : vector<16xi1>, vector<16xf32>
    %add3A_219 = arith.addf %add3A_205, %select_n3A_218 : vector<16xf32>
    %eq3A_220 = vector.broadcast %sub3A_137 : i32 to vector<16xi32>
    %eq3A_221 = arith.cmpi eq, %add3A_170, %eq3A_220 : vector<16xi32>
    %jit3A_222 = arith.constant 0.000000e+00 : f32
    %broadcast_in_dim3A_223 = vector.broadcast %mul3A_109 : f32 to vector<16xf32>
    %broadcast_in_dim3A_224 = vector.broadcast %jit3A_222 : f32 to vector<16xf32>
    %select_n3A_225 = arith.select %eq3A_221, %broadcast_in_dim3A_223, %broadcast_in_dim3A_224 : vector<16xi1>, vector<16xf32>
    %add3A_226 = arith.addf %add3A_212, %select_n3A_225 : vector<16xf32>
    %ne3A_227 = arith.constant 0.000000e+00 : f32
    %ne3A_228 = vector.broadcast %ne3A_227 : f32 to vector<16xf32>
    %ne3A_229 = arith.cmpf one, %add3A_226, %ne3A_228 : vector<16xf32>
    %dma_wait3A = tpu.memref_slice %arg3[%select_n3A, %multiple_of3A, %multiple_of3A_77] : memref<3x75x100000xf32, #tpu.memory_space<hbm>> -> memref<1x16x256xf32, #tpu.memory_space<hbm>>
    %dma_wait3A_230 = tpu.memref_slice %arg3[%select_n3A, %multiple_of3A, %multiple_of3A_77] : memref<3x75x100000xf32, #tpu.memory_space<hbm>> -> memref<1x16x256xf32, #tpu.memory_space<hbm>>
    tpu.wait_dma2 semaphore(%arg9 : memref<!tpu.dma_semaphore, #tpu.memory_space<semaphore_mem>>) src(%dma_wait3A_230 : memref<1x16x256xf32, #tpu.memory_space<hbm>>) dst(%arg6 : memref<1x16x256xf32, #tpu.memory_space<vmem>>)
    %get3A_231 = arith.constant 0 : i32
    %get3A_232 = arith.constant 0 : i32
    %get3A_233 = arith.index_cast %get3A_231 : i32 to index
    %get3A_234 = arith.index_cast %get3A_232 : i32 to index
    %get3A_235 = arith.index_cast %multiple_of3A_164 : i32 to index
    %get3A_236 = tpu.vector_load %arg6[%get3A_233, %get3A_234, %get3A_235] {strides = array<i32>} : memref<1x16x256xf32, #tpu.memory_space<vmem>>, vector<1x1x16xf32>,
    %get3A_237 = vector.shape_cast %get3A_236 : vector<1x1x16xf32> to vector<16xf32>
    %add3A_238 = arith.constant 16 : i32
    %add3A_239 = arith.addi %multiple_of3A_164, %add3A_238 : i32
    %get3A_240 = arith.constant 0 : i32
    %get3A_241 = arith.constant 0 : i32
    %get3A_242 = arith.index_cast %get3A_240 : i32 to index
    %get3A_243 = arith.index_cast %get3A_241 : i32 to index
    %get3A_244 = arith.index_cast %add3A_239 : i32 to index
    %get3A_245 = tpu.vector_load %arg6[%get3A_242, %get3A_243, %get3A_244] {strides = array<i32>} : memref<1x16x256xf32, #tpu.memory_space<vmem>>, vector<1x1x16xf32>,
    %get3A_246 = vector.shape_cast %get3A_245 : vector<1x1x16xf32> to vector<16xf32>
    %mul3A_247 = arith.mulf %get3A_237, %add3A_219 : vector<16xf32>
    %mul3A_248 = arith.mulf %get3A_246, %add3A_226 : vector<16xf32>
    %jit3A_249 = arith.constant 0.000000e+00 : f32
    %broadcast_in_dim3A_250 = vector.broadcast %jit3A_249 : f32 to vector<16xf32>
    %select_n3A_251 = arith.select %ne3A_229, %mul3A_248, %broadcast_in_dim3A_250 : vector<16xi1>, vector<16xf32>
    %add3A_252 = arith.addf %mul3A_247, %select_n3A_251 : vector<16xf32>
    %swap3A = arith.constant 0 : index
    %swap3A_253 = tpu.vector_load %arg8[%swap3A] {strides = array<i32>} : memref<512xf32, #tpu.memory_space<vmem>>, vector<16xf32>,
    %swap3A_254 = vector.shape_cast %swap3A_253 : vector<16xf32> to vector<16xf32>
    %swap3A_255 = vector.shape_cast %add3A_252 : vector<16xf32> to vector<16xf32>
    tpu.vector_store %arg8[%swap3A], %swap3A_255 {strides = array<i32>} : memref<512xf32, #tpu.memory_space<vmem>>, vector<16xf32>,
    %get3A_256 = arith.constant 8 : index
    %get3A_257 = tpu.vector_load %arg8[%get3A_256] {strides = array<i32>} : memref<512xf32, #tpu.memory_space<vmem>>, vector<16xf32>,
    %get3A_258 = vector.shape_cast %get3A_257 : vector<16xf32> to vector<16xf32>
    %add3A_259 = arith.addf %add3A_252, %get3A_258 : vector<16xf32>
    %swap3A_260 = arith.constant 0 : index
    %swap3A_261 = tpu.vector_load %arg8[%swap3A_260] {strides = array<i32>} : memref<512xf32, #tpu.memory_space<vmem>>, vector<16xf32>,
    %swap3A_262 = vector.shape_cast %swap3A_261 : vector<16xf32> to vector<16xf32>
    %swap3A_263 = vector.shape_cast %add3A_259 : vector<16xf32> to vector<16xf32>
    tpu.vector_store %arg8[%swap3A_260], %swap3A_263 {strides = array<i32>} : memref<512xf32, #tpu.memory_space<vmem>>, vector<16xf32>,
    %get3A_264 = arith.constant 4 : index
    %get3A_265 = tpu.vector_load %arg8[%get3A_264] {strides = array<i32>} : memref<512xf32, #tpu.memory_space<vmem>>, vector<16xf32>,
    %get3A_266 = vector.shape_cast %get3A_265 : vector<16xf32> to vector<16xf32>
    %add3A_267 = arith.addf %add3A_259, %get3A_266 : vector<16xf32>
    %swap3A_268 = arith.constant 0 : index
    %swap3A_269 = tpu.vector_load %arg8[%swap3A_268] {strides = array<i32>} : memref<512xf32, #tpu.memory_space<vmem>>, vector<16xf32>,
    %swap3A_270 = vector.shape_cast %swap3A_269 : vector<16xf32> to vector<16xf32>
    %swap3A_271 = vector.shape_cast %add3A_267 : vector<16xf32> to vector<16xf32>
    tpu.vector_store %arg8[%swap3A_268], %swap3A_271 {strides = array<i32>} : memref<512xf32, #tpu.memory_space<vmem>>, vector<16xf32>,
    %get3A_272 = arith.constant 2 : index
    %get3A_273 = tpu.vector_load %arg8[%get3A_272] {strides = array<i32>} : memref<512xf32, #tpu.memory_space<vmem>>, vector<16xf32>,
    %get3A_274 = vector.shape_cast %get3A_273 : vector<16xf32> to vector<16xf32>
    %add3A_275 = arith.addf %add3A_267, %get3A_274 : vector<16xf32>
    %swap3A_276 = arith.constant 0 : index
    %swap3A_277 = tpu.vector_load %arg8[%swap3A_276] {strides = array<i32>} : memref<512xf32, #tpu.memory_space<vmem>>, vector<16xf32>,
    %swap3A_278 = vector.shape_cast %swap3A_277 : vector<16xf32> to vector<16xf32>
    %swap3A_279 = vector.shape_cast %add3A_275 : vector<16xf32> to vector<16xf32>
    tpu.vector_store %arg8[%swap3A_276], %swap3A_279 {strides = array<i32>} : memref<512xf32, #tpu.memory_space<vmem>>, vector<16xf32>,
    %get3A_280 = arith.constant 1 : index
    %get3A_281 = tpu.vector_load %arg8[%get3A_280] {strides = array<i32>} : memref<512xf32, #tpu.memory_space<vmem>>, vector<16xf32>,
    %get3A_282 = vector.shape_cast %get3A_281 : vector<16xf32> to vector<16xf32>
    %add3A_283 = arith.addf %add3A_275, %get3A_282 : vector<16xf32>
    %eq3A_284 = arith.constant 0 : i32
    %eq3A_285 = vector.broadcast %eq3A_284 : i32 to vector<16xi32>
    %eq3A_286 = arith.cmpi eq, %iota3A, %eq3A_285 : vector<16xi32>
    %slice3A_287 = vector.extract_strided_slice %add3A_283 {offsets = [0], sizes = [1], strides = [1]} : vector<16xf32> to vector<1xf32>
    %squeeze3A_288 = vector.extract %slice3A_287[0] : f32 from vector<1xf32>
    %broadcast_in_dim3A_289 = vector.broadcast %squeeze3A_288 : f32 to vector<16xf32>
    %select_n3A_290 = arith.select %eq3A_286, %broadcast_in_dim3A_289, %broadcast_in_dim3A_165 : vector<16xi1>, vector<16xf32>
    %get3A_291 = arith.constant 0 : i32
    %get3A_292 = arith.constant 1 : i32
    %get3A_293 = arith.index_cast %get3A_291 : i32 to index
    %get3A_294 = arith.index_cast %get3A_292 : i32 to index
    %get3A_295 = arith.index_cast %multiple_of3A_164 : i32 to index
    %get3A_296 = tpu.vector_load %arg6[%get3A_293, %get3A_294, %get3A_295] {strides = array<i32>} : memref<1x16x256xf32, #tpu.memory_space<vmem>>, vector<1x1x16xf32>,
    %get3A_297 = vector.shape_cast %get3A_296 : vector<1x1x16xf32> to vector<16xf32>
    %add3A_298 = arith.constant 16 : i32
    %add3A_299 = arith.addi %multiple_of3A_164, %add3A_298 : i32
    %get3A_300 = arith.constant 0 : i32
    %get3A_301 = arith.constant 1 : i32
    %get3A_302 = arith.index_cast %get3A_300 : i32 to index
    %get3A_303 = arith.index_cast %get3A_301 : i32 to index
    %get3A_304 = arith.index_cast %add3A_299 : i32 to index
    %get3A_305 = tpu.vector_load %arg6[%get3A_302, %get3A_303, %get3A_304] {strides = array<i32>} : memref<1x16x256xf32, #tpu.memory_space<vmem>>, vector<1x1x16xf32>,
    %get3A_306 = vector.shape_cast %get3A_305 : vector<1x1x16xf32> to vector<16xf32>
    %mul3A_307 = arith.mulf %get3A_297, %add3A_219 : vector<16xf32>
    %mul3A_308 = arith.mulf %get3A_306, %add3A_226 : vector<16xf32>
    %jit3A_309 = arith.constant 0.000000e+00 : f32
    %broadcast_in_dim3A_310 = vector.broadcast %jit3A_309 : f32 to vector<16xf32>
    %select_n3A_311 = arith.select %ne3A_229, %mul3A_308, %broadcast_in_dim3A_310 : vector<16xi1>, vector<16xf32>
    %add3A_312 = arith.addf %mul3A_307, %select_n3A_311 : vector<16xf32>
    %swap3A_313 = arith.constant 32 : index
    %swap3A_314 = tpu.vector_load %arg8[%swap3A_313] {strides = array<i32>} : memref<512xf32, #tpu.memory_space<vmem>>, vector<16xf32>,
    %swap3A_315 = vector.shape_cast %swap3A_314 : vector<16xf32> to vector<16xf32>
    %swap3A_316 = vector.shape_cast %add3A_312 : vector<16xf32> to vector<16xf32>
    tpu.vector_store %arg8[%swap3A_313], %swap3A_316 {strides = array<i32>} : memref<512xf32, #tpu.memory_space<vmem>>, vector<16xf32>,
    %get3A_317 = arith.constant 40 : index
    %get3A_318 = tpu.vector_load %arg8[%get3A_317] {strides = array<i32>} : memref<512xf32, #tpu.memory_space<vmem>>, vector<16xf32>,
    %get3A_319 = vector.shape_cast %get3A_318 : vector<16xf32> to vector<16xf32>
    %add3A_320 = arith.addf %add3A_312, %get3A_319 : vector<16xf32>
    %swap3A_321 = arith.constant 32 : index
    %swap3A_322 = tpu.vector_load %arg8[%swap3A_321] {strides = array<i32>} : memref<512xf32, #tpu.memory_space<vmem>>, vector<16xf32>,
    %swap3A_323 = vector.shape_cast %swap3A_322 : vector<16xf32> to vector<16xf32>
    %swap3A_324 = vector.shape_cast %add3A_320 : vector<16xf32> to vector<16xf32>
    tpu.vector_store %arg8[%swap3A_321], %swap3A_324 {strides = array<i32>} : memref<512xf32, #tpu.memory_space<vmem>>, vector<16xf32>,
    %get3A_325 = arith.constant 36 : index
    %get3A_326 = tpu.vector_load %arg8[%get3A_325] {strides = array<i32>} : memref<512xf32, #tpu.memory_space<vmem>>, vector<16xf32>,
    %get3A_327 = vector.shape_cast %get3A_326 : vector<16xf32> to vector<16xf32>
    %add3A_328 = arith.addf %add3A_320, %get3A_327 : vector<16xf32>
    %swap3A_329 = arith.constant 32 : index
    %swap3A_330 = tpu.vector_load %arg8[%swap3A_329] {strides = array<i32>} : memref<512xf32, #tpu.memory_space<vmem>>, vector<16xf32>,
    %swap3A_331 = vector.shape_cast %swap3A_330 : vector<16xf32> to vector<16xf32>
    %swap3A_332 = vector.shape_cast %add3A_328 : vector<16xf32> to vector<16xf32>
    tpu.vector_store %arg8[%swap3A_329], %swap3A_332 {strides = array<i32>} : memref<512xf32, #tpu.memory_space<vmem>>, vector<16xf32>,
    %get3A_333 = arith.constant 34 : index
    %get3A_334 = tpu.vector_load %arg8[%get3A_333] {strides = array<i32>} : memref<512xf32, #tpu.memory_space<vmem>>, vector<16xf32>,
    %get3A_335 = vector.shape_cast %get3A_334 : vector<16xf32> to vector<16xf32>
    %add3A_336 = arith.addf %add3A_328, %get3A_335 : vector<16xf32>
    %swap3A_337 = arith.constant 32 : index
    %swap3A_338 = tpu.vector_load %arg8[%swap3A_337] {strides = array<i32>} : memref<512xf32, #tpu.memory_space<vmem>>, vector<16xf32>,
    %swap3A_339 = vector.shape_cast %swap3A_338 : vector<16xf32> to vector<16xf32>
    %swap3A_340 = vector.shape_cast %add3A_336 : vector<16xf32> to vector<16xf32>
    tpu.vector_store %arg8[%swap3A_337], %swap3A_340 {strides = array<i32>} : memref<512xf32, #tpu.memory_space<vmem>>, vector<16xf32>,
    %get3A_341 = arith.constant 33 : index
    %get3A_342 = tpu.vector_load %arg8[%get3A_341] {strides = array<i32>} : memref<512xf32, #tpu.memory_space<vmem>>, vector<16xf32>,
    %get3A_343 = vector.shape_cast %get3A_342 : vector<16xf32> to vector<16xf32>
    %add3A_344 = arith.addf %add3A_336, %get3A_343 : vector<16xf32>
    %eq3A_345 = arith.constant 1 : i32
    %eq3A_346 = vector.broadcast %eq3A_345 : i32 to vector<16xi32>
    %eq3A_347 = arith.cmpi eq, %iota3A, %eq3A_346 : vector<16xi32>
    %slice3A_348 = vector.extract_strided_slice %add3A_344 {offsets = [0], sizes = [1], strides = [1]} : vector<16xf32> to vector<1xf32>
    %squeeze3A_349 = vector.extract %slice3A_348[0] : f32 from vector<1xf32>
    %broadcast_in_dim3A_350 = vector.broadcast %squeeze3A_349 : f32 to vector<16xf32>
    %select_n3A_351 = arith.select %eq3A_347, %broadcast_in_dim3A_350, %select_n3A_290 : vector<16xi1>, vector<16xf32>
    %get3A_352 = arith.constant 0 : i32
    %get3A_353 = arith.constant 2 : i32
    %get3A_354 = arith.index_cast %get3A_352 : i32 to index
    %get3A_355 = arith.index_cast %get3A_353 : i32 to index
    %get3A_356 = arith.index_cast %multiple_of3A_164 : i32 to index
    %get3A_357 = tpu.vector_load %arg6[%get3A_354, %get3A_355, %get3A_356] {strides = array<i32>} : memref<1x16x256xf32, #tpu.memory_space<vmem>>, vector<1x1x16xf32>,
    %get3A_358 = vector.shape_cast %get3A_357 : vector<1x1x16xf32> to vector<16xf32>
    %add3A_359 = arith.constant 16 : i32
    %add3A_360 = arith.addi %multiple_of3A_164, %add3A_359 : i32
    %get3A_361 = arith.constant 0 : i32
    %get3A_362 = arith.constant 2 : i32
    %get3A_363 = arith.index_cast %get3A_361 : i32 to index
    %get3A_364 = arith.index_cast %get3A_362 : i32 to index
    %get3A_365 = arith.index_cast %add3A_360 : i32 to index
    %get3A_366 = tpu.vector_load %arg6[%get3A_363, %get3A_364, %get3A_365] {strides = array<i32>} : memref<1x16x256xf32, #tpu.memory_space<vmem>>, vector<1x1x16xf32>,
    %get3A_367 = vector.shape_cast %get3A_366 : vector<1x1x16xf32> to vector<16xf32>
    %mul3A_368 = arith.mulf %get3A_358, %add3A_219 : vector<16xf32>
    %mul3A_369 = arith.mulf %get3A_367, %add3A_226 : vector<16xf32>
    %jit3A_370 = arith.constant 0.000000e+00 : f32
    %broadcast_in_dim3A_371 = vector.broadcast %jit3A_370 : f32 to vector<16xf32>
    %select_n3A_372 = arith.select %ne3A_229, %mul3A_369, %broadcast_in_dim3A_371 : vector<16xi1>, vector<16xf32>
    %add3A_373 = arith.addf %mul3A_368, %select_n3A_372 : vector<16xf32>
    %swap3A_374 = arith.constant 64 : index
    %swap3A_375 = tpu.vector_load %arg8[%swap3A_374] {strides = array<i32>} : memref<512xf32, #tpu.memory_space<vmem>>, vector<16xf32>,
    %swap3A_376 = vector.shape_cast %swap3A_375 : vector<16xf32> to vector<16xf32>
    %swap3A_377 = vector.shape_cast %add3A_373 : vector<16xf32> to vector<16xf32>
    tpu.vector_store %arg8[%swap3A_374], %swap3A_377 {strides = array<i32>} : memref<512xf32, #tpu.memory_space<vmem>>, vector<16xf32>,
    %get3A_378 = arith.constant 72 : index
    %get3A_379 = tpu.vector_load %arg8[%get3A_378] {strides = array<i32>} : memref<512xf32, #tpu.memory_space<vmem>>, vector<16xf32>,
    %get3A_380 = vector.shape_cast %get3A_379 : vector<16xf32> to vector<16xf32>
    %add3A_381 = arith.addf %add3A_373, %get3A_380 : vector<16xf32>
    %swap3A_382 = arith.constant 64 : index
    %swap3A_383 = tpu.vector_load %arg8[%swap3A_382] {strides = array<i32>} : memref<512xf32, #tpu.memory_space<vmem>>, vector<16xf32>,
    %swap3A_384 = vector.shape_cast %swap3A_383 : vector<16xf32> to vector<16xf32>
    %swap3A_385 = vector.shape_cast %add3A_381 : vector<16xf32> to vector<16xf32>
    tpu.vector_store %arg8[%swap3A_382], %swap3A_385 {strides = array<i32>} : memref<512xf32, #tpu.memory_space<vmem>>, vector<16xf32>,
    %get3A_386 = arith.constant 68 : index
    %get3A_387 = tpu.vector_load %arg8[%get3A_386] {strides = array<i32>} : memref<512xf32, #tpu.memory_space<vmem>>, vector<16xf32>,
    %get3A_388 = vector.shape_cast %get3A_387 : vector<16xf32> to vector<16xf32>
    %add3A_389 = arith.addf %add3A_381, %get3A_388 : vector<16xf32>
    %swap3A_390 = arith.constant 64 : index
    %swap3A_391 = tpu.vector_load %arg8[%swap3A_390] {strides = array<i32>} : memref<512xf32, #tpu.memory_space<vmem>>, vector<16xf32>,
    %swap3A_392 = vector.shape_cast %swap3A_391 : vector<16xf32> to vector<16xf32>
    %swap3A_393 = vector.shape_cast %add3A_389 : vector<16xf32> to vector<16xf32>
    tpu.vector_store %arg8[%swap3A_390], %swap3A_393 {strides = array<i32>} : memref<512xf32, #tpu.memory_space<vmem>>, vector<16xf32>,
    %get3A_394 = arith.constant 66 : index
    %get3A_395 = tpu.vector_load %arg8[%get3A_394] {strides = array<i32>} : memref<512xf32, #tpu.memory_space<vmem>>, vector<16xf32>,
    %get3A_396 = vector.shape_cast %get3A_395 : vector<16xf32> to vector<16xf32>
    %add3A_397 = arith.addf %add3A_389, %get3A_396 : vector<16xf32>
    %swap3A_398 = arith.constant 64 : index
    %swap3A_399 = tpu.vector_load %arg8[%swap3A_398] {strides = array<i32>} : memref<512xf32, #tpu.memory_space<vmem>>, vector<16xf32>,
    %swap3A_400 = vector.shape_cast %swap3A_399 : vector<16xf32> to vector<16xf32>
    %swap3A_401 = vector.shape_cast %add3A_397 : vector<16xf32> to vector<16xf32>
    tpu.vector_store %arg8[%swap3A_398], %swap3A_401 {strides = array<i32>} : memref<512xf32, #tpu.memory_space<vmem>>, vector<16xf32>,
    %get3A_402 = arith.constant 65 : index
    %get3A_403 = tpu.vector_load %arg8[%get3A_402] {strides = array<i32>} : memref<512xf32, #tpu.memory_space<vmem>>, vector<16xf32>,
    %get3A_404 = vector.shape_cast %get3A_403 : vector<16xf32> to vector<16xf32>
    %add3A_405 = arith.addf %add3A_397, %get3A_404 : vector<16xf32>
    %eq3A_406 = arith.constant 2 : i32
    %eq3A_407 = vector.broadcast %eq3A_406 : i32 to vector<16xi32>
    %eq3A_408 = arith.cmpi eq, %iota3A, %eq3A_407 : vector<16xi32>
    %slice3A_409 = vector.extract_strided_slice %add3A_405 {offsets = [0], sizes = [1], strides = [1]} : vector<16xf32> to vector<1xf32>
    %squeeze3A_410 = vector.extract %slice3A_409[0] : f32 from vector<1xf32>
    %broadcast_in_dim3A_411 = vector.broadcast %squeeze3A_410 : f32 to vector<16xf32>
    %select_n3A_412 = arith.select %eq3A_408, %broadcast_in_dim3A_411, %select_n3A_351 : vector<16xi1>, vector<16xf32>
    %get3A_413 = arith.constant 0 : i32
    %get3A_414 = arith.constant 3 : i32
    %get3A_415 = arith.index_cast %get3A_413 : i32 to index
    %get3A_416 = arith.index_cast %get3A_414 : i32 to index
    %get3A_417 = arith.index_cast %multiple_of3A_164 : i32 to index
    %get3A_418 = tpu.vector_load %arg6[%get3A_415, %get3A_416, %get3A_417] {strides = array<i32>} : memref<1x16x256xf32, #tpu.memory_space<vmem>>, vector<1x1x16xf32>,
    %get3A_419 = vector.shape_cast %get3A_418 : vector<1x1x16xf32> to vector<16xf32>
    %add3A_420 = arith.constant 16 : i32
    %add3A_421 = arith.addi %multiple_of3A_164, %add3A_420 : i32
    %get3A_422 = arith.constant 0 : i32
    %get3A_423 = arith.constant 3 : i32
    %get3A_424 = arith.index_cast %get3A_422 : i32 to index
    %get3A_425 = arith.index_cast %get3A_423 : i32 to index
    %get3A_426 = arith.index_cast %add3A_421 : i32 to index
    %get3A_427 = tpu.vector_load %arg6[%get3A_424, %get3A_425, %get3A_426] {strides = array<i32>} : memref<1x16x256xf32, #tpu.memory_space<vmem>>, vector<1x1x16xf32>,
    %get3A_428 = vector.shape_cast %get3A_427 : vector<1x1x16xf32> to vector<16xf32>
    %mul3A_429 = arith.mulf %get3A_419, %add3A_219 : vector<16xf32>
    %mul3A_430 = arith.mulf %get3A_428, %add3A_226 : vector<16xf32>
    %jit3A_431 = arith.constant 0.000000e+00 : f32
    %broadcast_in_dim3A_432 = vector.broadcast %jit3A_431 : f32 to vector<16xf32>
    %select_n3A_433 = arith.select %ne3A_229, %mul3A_430, %broadcast_in_dim3A_432 : vector<16xi1>, vector<16xf32>
    %add3A_434 = arith.addf %mul3A_429, %select_n3A_433 : vector<16xf32>
    %swap3A_435 = arith.constant 96 : index
    %swap3A_436 = tpu.vector_load %arg8[%swap3A_435] {strides = array<i32>} : memref<512xf32, #tpu.memory_space<vmem>>, vector<16xf32>,
    %swap3A_437 = vector.shape_cast %swap3A_436 : vector<16xf32> to vector<16xf32>
    %swap3A_438 = vector.shape_cast %add3A_434 : vector<16xf32> to vector<16xf32>
    tpu.vector_store %arg8[%swap3A_435], %swap3A_438 {strides = array<i32>} : memref<512xf32, #tpu.memory_space<vmem>>, vector<16xf32>,
    %get3A_439 = arith.constant 104 : index
    %get3A_440 = tpu.vector_load %arg8[%get3A_439] {strides = array<i32>} : memref<512xf32, #tpu.memory_space<vmem>>, vector<16xf32>,
    %get3A_441 = vector.shape_cast %get3A_440 : vector<16xf32> to vector<16xf32>
    %add3A_442 = arith.addf %add3A_434, %get3A_441 : vector<16xf32>
    %swap3A_443 = arith.constant 96 : index
    %swap3A_444 = tpu.vector_load %arg8[%swap3A_443] {strides = array<i32>} : memref<512xf32, #tpu.memory_space<vmem>>, vector<16xf32>,
    %swap3A_445 = vector.shape_cast %swap3A_444 : vector<16xf32> to vector<16xf32>
    %swap3A_446 = vector.shape_cast %add3A_442 : vector<16xf32> to vector<16xf32>
    tpu.vector_store %arg8[%swap3A_443], %swap3A_446 {strides = array<i32>} : memref<512xf32, #tpu.memory_space<vmem>>, vector<16xf32>,
    %get3A_447 = arith.constant 100 : index
    %get3A_448 = tpu.vector_load %arg8[%get3A_447] {strides = array<i32>} : memref<512xf32, #tpu.memory_space<vmem>>, vector<16xf32>,
    %get3A_449 = vector.shape_cast %get3A_448 : vector<16xf32> to vector<16xf32>
    %add3A_450 = arith.addf %add3A_442, %get3A_449 : vector<16xf32>
    %swap3A_451 = arith.constant 96 : index
    %swap3A_452 = tpu.vector_load %arg8[%swap3A_451] {strides = array<i32>} : memref<512xf32, #tpu.memory_space<vmem>>, vector<16xf32>,
    %swap3A_453 = vector.shape_cast %swap3A_452 : vector<16xf32> to vector<16xf32>
    %swap3A_454 = vector.shape_cast %add3A_450 : vector<16xf32> to vector<16xf32>
    tpu.vector_store %arg8[%swap3A_451], %swap3A_454 {strides = array<i32>} : memref<512xf32, #tpu.memory_space<vmem>>, vector<16xf32>,
    %get3A_455 = arith.constant 98 : index
    %get3A_456 = tpu.vector_load %arg8[%get3A_455] {strides = array<i32>} : memref<512xf32, #tpu.memory_space<vmem>>, vector<16xf32>,
    %get3A_457 = vector.shape_cast %get3A_456 : vector<16xf32> to vector<16xf32>
    %add3A_458 = arith.addf %add3A_450, %get3A_457 : vector<16xf32>
    %swap3A_459 = arith.constant 96 : index
    %swap3A_460 = tpu.vector_load %arg8[%swap3A_459] {strides = array<i32>} : memref<512xf32, #tpu.memory_space<vmem>>, vector<16xf32>,
    %swap3A_461 = vector.shape_cast %swap3A_460 : vector<16xf32> to vector<16xf32>
    %swap3A_462 = vector.shape_cast %add3A_458 : vector<16xf32> to vector<16xf32>
    tpu.vector_store %arg8[%swap3A_459], %swap3A_462 {strides = array<i32>} : memref<512xf32, #tpu.memory_space<vmem>>, vector<16xf32>,
    %get3A_463 = arith.constant 97 : index
    %get3A_464 = tpu.vector_load %arg8[%get3A_463] {strides = array<i32>} : memref<512xf32, #tpu.memory_space<vmem>>, vector<16xf32>,
    %get3A_465 = vector.shape_cast %get3A_464 : vector<16xf32> to vector<16xf32>
    %add3A_466 = arith.addf %add3A_458, %get3A_465 : vector<16xf32>
    %eq3A_467 = arith.constant 3 : i32
    %eq3A_468 = vector.broadcast %eq3A_467 : i32 to vector<16xi32>
    %eq3A_469 = arith.cmpi eq, %iota3A, %eq3A_468 : vector<16xi32>
    %slice3A_470 = vector.extract_strided_slice %add3A_466 {offsets = [0], sizes = [1], strides = [1]} : vector<16xf32> to vector<1xf32>
    %squeeze3A_471 = vector.extract %slice3A_470[0] : f32 from vector<1xf32>
    %broadcast_in_dim3A_472 = vector.broadcast %squeeze3A_471 : f32 to vector<16xf32>
    %select_n3A_473 = arith.select %eq3A_469, %broadcast_in_dim3A_472, %select_n3A_412 : vector<16xi1>, vector<16xf32>
    %get3A_474 = arith.constant 0 : i32
    %get3A_475 = arith.constant 4 : i32
    %get3A_476 = arith.index_cast %get3A_474 : i32 to index
    %get3A_477 = arith.index_cast %get3A_475 : i32 to index
    %get3A_478 = arith.index_cast %multiple_of3A_164 : i32 to index
    %get3A_479 = tpu.vector_load %arg6[%get3A_476, %get3A_477, %get3A_478] {strides = array<i32>} : memref<1x16x256xf32, #tpu.memory_space<vmem>>, vector<1x1x16xf32>,
    %get3A_480 = vector.shape_cast %get3A_479 : vector<1x1x16xf32> to vector<16xf32>
    %add3A_481 = arith.constant 16 : i32
    %add3A_482 = arith.addi %multiple_of3A_164, %add3A_481 : i32
    %get3A_483 = arith.constant 0 : i32
    %get3A_484 = arith.constant 4 : i32
    %get3A_485 = arith.index_cast %get3A_483 : i32 to index
    %get3A_486 = arith.index_cast %get3A_484 : i32 to index
    %get3A_487 = arith.index_cast %add3A_482 : i32 to index
    %get3A_488 = tpu.vector_load %arg6[%get3A_485, %get3A_486, %get3A_487] {strides = array<i32>} : memref<1x16x256xf32, #tpu.memory_space<vmem>>, vector<1x1x16xf32>,
    %get3A_489 = vector.shape_cast %get3A_488 : vector<1x1x16xf32> to vector<16xf32>
    %mul3A_490 = arith.mulf %get3A_480, %add3A_219 : vector<16xf32>
    %mul3A_491 = arith.mulf %get3A_489, %add3A_226 : vector<16xf32>
    %jit3A_492 = arith.constant 0.000000e+00 : f32
    %broadcast_in_dim3A_493 = vector.broadcast %jit3A_492 : f32 to vector<16xf32>
    %select_n3A_494 = arith.select %ne3A_229, %mul3A_491, %broadcast_in_dim3A_493 : vector<16xi1>, vector<16xf32>
    %add3A_495 = arith.addf %mul3A_490, %select_n3A_494 : vector<16xf32>
    %swap3A_496 = arith.constant 128 : index
    %swap3A_497 = tpu.vector_load %arg8[%swap3A_496] {strides = array<i32>} : memref<512xf32, #tpu.memory_space<vmem>>, vector<16xf32>,
    %swap3A_498 = vector.shape_cast %swap3A_497 : vector<16xf32> to vector<16xf32>
    %swap3A_499 = vector.shape_cast %add3A_495 : vector<16xf32> to vector<16xf32>
    tpu.vector_store %arg8[%swap3A_496], %swap3A_499 {strides = array<i32>} : memref<512xf32, #tpu.memory_space<vmem>>, vector<16xf32>,
    %get3A_500 = arith.constant 136 : index
    %get3A_501 = tpu.vector_load %arg8[%get3A_500] {strides = array<i32>} : memref<512xf32, #tpu.memory_space<vmem>>, vector<16xf32>,
    %get3A_502 = vector.shape_cast %get3A_501 : vector<16xf32> to vector<16xf32>
    %add3A_503 = arith.addf %add3A_495, %get3A_502 : vector<16xf32>
    %swap3A_504 = arith.constant 128 : index
    %swap3A_505 = tpu.vector_load %arg8[%swap3A_504] {strides = array<i32>} : memref<512xf32, #tpu.memory_space<vmem>>, vector<16xf32>,
    %swap3A_506 = vector.shape_cast %swap3A_505 : vector<16xf32> to vector<16xf32>
    %swap3A_507 = vector.shape_cast %add3A_503 : vector<16xf32> to vector<16xf32>
    tpu.vector_store %arg8[%swap3A_504], %swap3A_507 {strides = array<i32>} : memref<512xf32, #tpu.memory_space<vmem>>, vector<16xf32>,
    %get3A_508 = arith.constant 132 : index
    %get3A_509 = tpu.vector_load %arg8[%get3A_508] {strides = array<i32>} : memref<512xf32, #tpu.memory_space<vmem>>, vector<16xf32>,
    %get3A_510 = vector.shape_cast %get3A_509 : vector<16xf32> to vector<16xf32>
    %add3A_511 = arith.addf %add3A_503, %get3A_510 : vector<16xf32>
    %swap3A_512 = arith.constant 128 : index
    %swap3A_513 = tpu.vector_load %arg8[%swap3A_512] {strides = array<i32>} : memref<512xf32, #tpu.memory_space<vmem>>, vector<16xf32>,
    %swap3A_514 = vector.shape_cast %swap3A_513 : vector<16xf32> to vector<16xf32>
    %swap3A_515 = vector.shape_cast %add3A_511 : vector<16xf32> to vector<16xf32>
    tpu.vector_store %arg8[%swap3A_512], %swap3A_515 {strides = array<i32>} : memref<512xf32, #tpu.memory_space<vmem>>, vector<16xf32>,
    %get3A_516 = arith.constant 130 : index
    %get3A_517 = tpu.vector_load %arg8[%get3A_516] {strides = array<i32>} : memref<512xf32, #tpu.memory_space<vmem>>, vector<16xf32>,
    %get3A_518 = vector.shape_cast %get3A_517 : vector<16xf32> to vector<16xf32>
    %add3A_519 = arith.addf %add3A_511, %get3A_518 : vector<16xf32>
    %swap3A_520 = arith.constant 128 : index
    %swap3A_521 = tpu.vector_load %arg8[%swap3A_520] {strides = array<i32>} : memref<512xf32, #tpu.memory_space<vmem>>, vector<16xf32>,
    %swap3A_522 = vector.shape_cast %swap3A_521 : vector<16xf32> to vector<16xf32>
    %swap3A_523 = vector.shape_cast %add3A_519 : vector<16xf32> to vector<16xf32>
    tpu.vector_store %arg8[%swap3A_520], %swap3A_523 {strides = array<i32>} : memref<512xf32, #tpu.memory_space<vmem>>, vector<16xf32>,
    %get3A_524 = arith.constant 129 : index
    %get3A_525 = tpu.vector_load %arg8[%get3A_524] {strides = array<i32>} : memref<512xf32, #tpu.memory_space<vmem>>, vector<16xf32>,
    %get3A_526 = vector.shape_cast %get3A_525 : vector<16xf32> to vector<16xf32>
    %add3A_527 = arith.addf %add3A_519, %get3A_526 : vector<16xf32>
    %eq3A_528 = arith.constant 4 : i32
    %eq3A_529 = vector.broadcast %eq3A_528 : i32 to vector<16xi32>
    %eq3A_530 = arith.cmpi eq, %iota3A, %eq3A_529 : vector<16xi32>
    %slice3A_531 = vector.extract_strided_slice %add3A_527 {offsets = [0], sizes = [1], strides = [1]} : vector<16xf32> to vector<1xf32>
    %squeeze3A_532 = vector.extract %slice3A_531[0] : f32 from vector<1xf32>
    %broadcast_in_dim3A_533 = vector.broadcast %squeeze3A_532 : f32 to vector<16xf32>
    %select_n3A_534 = arith.select %eq3A_530, %broadcast_in_dim3A_533, %select_n3A_473 : vector<16xi1>, vector<16xf32>
    %get3A_535 = arith.constant 0 : i32
    %get3A_536 = arith.constant 5 : i32
    %get3A_537 = arith.index_cast %get3A_535 : i32 to index
    %get3A_538 = arith.index_cast %get3A_536 : i32 to index
    %get3A_539 = arith.index_cast %multiple_of3A_164 : i32 to index
    %get3A_540 = tpu.vector_load %arg6[%get3A_537, %get3A_538, %get3A_539] {strides = array<i32>} : memref<1x16x256xf32, #tpu.memory_space<vmem>>, vector<1x1x16xf32>,
    %get3A_541 = vector.shape_cast %get3A_540 : vector<1x1x16xf32> to vector<16xf32>
    %add3A_542 = arith.constant 16 : i32
    %add3A_543 = arith.addi %multiple_of3A_164, %add3A_542 : i32
    %get3A_544 = arith.constant 0 : i32
    %get3A_545 = arith.constant 5 : i32
    %get3A_546 = arith.index_cast %get3A_544 : i32 to index
    %get3A_547 = arith.index_cast %get3A_545 : i32 to index
    %get3A_548 = arith.index_cast %add3A_543 : i32 to index
    %get3A_549 = tpu.vector_load %arg6[%get3A_546, %get3A_547, %get3A_548] {strides = array<i32>} : memref<1x16x256xf32, #tpu.memory_space<vmem>>, vector<1x1x16xf32>,
    %get3A_550 = vector.shape_cast %get3A_549 : vector<1x1x16xf32> to vector<16xf32>
    %mul3A_551 = arith.mulf %get3A_541, %add3A_219 : vector<16xf32>
    %mul3A_552 = arith.mulf %get3A_550, %add3A_226 : vector<16xf32>
    %jit3A_553 = arith.constant 0.000000e+00 : f32
    %broadcast_in_dim3A_554 = vector.broadcast %jit3A_553 : f32 to vector<16xf32>
    %select_n3A_555 = arith.select %ne3A_229, %mul3A_552, %broadcast_in_dim3A_554 : vector<16xi1>, vector<16xf32>
    %add3A_556 = arith.addf %mul3A_551, %select_n3A_555 : vector<16xf32>
    %swap3A_557 = arith.constant 160 : index
    %swap3A_558 = tpu.vector_load %arg8[%swap3A_557] {strides = array<i32>} : memref<512xf32, #tpu.memory_space<vmem>>, vector<16xf32>,
    %swap3A_559 = vector.shape_cast %swap3A_558 : vector<16xf32> to vector<16xf32>
    %swap3A_560 = vector.shape_cast %add3A_556 : vector<16xf32> to vector<16xf32>
    tpu.vector_store %arg8[%swap3A_557], %swap3A_560 {strides = array<i32>} : memref<512xf32, #tpu.memory_space<vmem>>, vector<16xf32>,
    %get3A_561 = arith.constant 168 : index
    %get3A_562 = tpu.vector_load %arg8[%get3A_561] {strides = array<i32>} : memref<512xf32, #tpu.memory_space<vmem>>, vector<16xf32>,
    %get3A_563 = vector.shape_cast %get3A_562 : vector<16xf32> to vector<16xf32>
    %add3A_564 = arith.addf %add3A_556, %get3A_563 : vector<16xf32>
    %swap3A_565 = arith.constant 160 : index
    %swap3A_566 = tpu.vector_load %arg8[%swap3A_565] {strides = array<i32>} : memref<512xf32, #tpu.memory_space<vmem>>, vector<16xf32>,
    %swap3A_567 = vector.shape_cast %swap3A_566 : vector<16xf32> to vector<16xf32>
    %swap3A_568 = vector.shape_cast %add3A_564 : vector<16xf32> to vector<16xf32>
    tpu.vector_store %arg8[%swap3A_565], %swap3A_568 {strides = array<i32>} : memref<512xf32, #tpu.memory_space<vmem>>, vector<16xf32>,
    %get3A_569 = arith.constant 164 : index
    %get3A_570 = tpu.vector_load %arg8[%get3A_569] {strides = array<i32>} : memref<512xf32, #tpu.memory_space<vmem>>, vector<16xf32>,
    %get3A_571 = vector.shape_cast %get3A_570 : vector<16xf32> to vector<16xf32>
    %add3A_572 = arith.addf %add3A_564, %get3A_571 : vector<16xf32>
    %swap3A_573 = arith.constant 160 : index
    %swap3A_574 = tpu.vector_load %arg8[%swap3A_573] {strides = array<i32>} : memref<512xf32, #tpu.memory_space<vmem>>, vector<16xf32>,
    %swap3A_575 = vector.shape_cast %swap3A_574 : vector<16xf32> to vector<16xf32>
    %swap3A_576 = vector.shape_cast %add3A_572 : vector<16xf32> to vector<16xf32>
    tpu.vector_store %arg8[%swap3A_573], %swap3A_576 {strides = array<i32>} : memref<512xf32, #tpu.memory_space<vmem>>, vector<16xf32>,
    %get3A_577 = arith.constant 162 : index
    %get3A_578 = tpu.vector_load %arg8[%get3A_577] {strides = array<i32>} : memref<512xf32, #tpu.memory_space<vmem>>, vector<16xf32>,
    %get3A_579 = vector.shape_cast %get3A_578 : vector<16xf32> to vector<16xf32>
    %add3A_580 = arith.addf %add3A_572, %get3A_579 : vector<16xf32>
    %swap3A_581 = arith.constant 160 : index
    %swap3A_582 = tpu.vector_load %arg8[%swap3A_581] {strides = array<i32>} : memref<512xf32, #tpu.memory_space<vmem>>, vector<16xf32>,
    %swap3A_583 = vector.shape_cast %swap3A_582 : vector<16xf32> to vector<16xf32>
    %swap3A_584 = vector.shape_cast %add3A_580 : vector<16xf32> to vector<16xf32>
    tpu.vector_store %arg8[%swap3A_581], %swap3A_584 {strides = array<i32>} : memref<512xf32, #tpu.memory_space<vmem>>, vector<16xf32>,
    %get3A_585 = arith.constant 161 : index
    %get3A_586 = tpu.vector_load %arg8[%get3A_585] {strides = array<i32>} : memref<512xf32, #tpu.memory_space<vmem>>, vector<16xf32>,
    %get3A_587 = vector.shape_cast %get3A_586 : vector<16xf32> to vector<16xf32>
    %add3A_588 = arith.addf %add3A_580, %get3A_587 : vector<16xf32>
    %eq3A_589 = arith.constant 5 : i32
    %eq3A_590 = vector.broadcast %eq3A_589 : i32 to vector<16xi32>
    %eq3A_591 = arith.cmpi eq, %iota3A, %eq3A_590 : vector<16xi32>
    %slice3A_592 = vector.extract_strided_slice %add3A_588 {offsets = [0], sizes = [1], strides = [1]} : vector<16xf32> to vector<1xf32>
    %squeeze3A_593 = vector.extract %slice3A_592[0] : f32 from vector<1xf32>
    %broadcast_in_dim3A_594 = vector.broadcast %squeeze3A_593 : f32 to vector<16xf32>
    %select_n3A_595 = arith.select %eq3A_591, %broadcast_in_dim3A_594, %select_n3A_534 : vector<16xi1>, vector<16xf32>
    %get3A_596 = arith.constant 0 : i32
    %get3A_597 = arith.constant 6 : i32
    %get3A_598 = arith.index_cast %get3A_596 : i32 to index
    %get3A_599 = arith.index_cast %get3A_597 : i32 to index
    %get3A_600 = arith.index_cast %multiple_of3A_164 : i32 to index
    %get3A_601 = tpu.vector_load %arg6[%get3A_598, %get3A_599, %get3A_600] {strides = array<i32>} : memref<1x16x256xf32, #tpu.memory_space<vmem>>, vector<1x1x16xf32>,
    %get3A_602 = vector.shape_cast %get3A_601 : vector<1x1x16xf32> to vector<16xf32>
    %add3A_603 = arith.constant 16 : i32
    %add3A_604 = arith.addi %multiple_of3A_164, %add3A_603 : i32
    %get3A_605 = arith.constant 0 : i32
    %get3A_606 = arith.constant 6 : i32
    %get3A_607 = arith.index_cast %get3A_605 : i32 to index
    %get3A_608 = arith.index_cast %get3A_606 : i32 to index
    %get3A_609 = arith.index_cast %add3A_604 : i32 to index
    %get3A_610 = tpu.vector_load %arg6[%get3A_607, %get3A_608, %get3A_609] {strides = array<i32>} : memref<1x16x256xf32, #tpu.memory_space<vmem>>, vector<1x1x16xf32>,
    %get3A_611 = vector.shape_cast %get3A_610 : vector<1x1x16xf32> to vector<16xf32>
    %mul3A_612 = arith.mulf %get3A_602, %add3A_219 : vector<16xf32>
    %mul3A_613 = arith.mulf %get3A_611, %add3A_226 : vector<16xf32>
    %jit3A_614 = arith.constant 0.000000e+00 : f32
    %broadcast_in_dim3A_615 = vector.broadcast %jit3A_614 : f32 to vector<16xf32>
    %select_n3A_616 = arith.select %ne3A_229, %mul3A_613, %broadcast_in_dim3A_615 : vector<16xi1>, vector<16xf32>
    %add3A_617 = arith.addf %mul3A_612, %select_n3A_616 : vector<16xf32>
    %swap3A_618 = arith.constant 192 : index
    %swap3A_619 = tpu.vector_load %arg8[%swap3A_618] {strides = array<i32>} : memref<512xf32, #tpu.memory_space<vmem>>, vector<16xf32>,
    %swap3A_620 = vector.shape_cast %swap3A_619 : vector<16xf32> to vector<16xf32>
    %swap3A_621 = vector.shape_cast %add3A_617 : vector<16xf32> to vector<16xf32>
    tpu.vector_store %arg8[%swap3A_618], %swap3A_621 {strides = array<i32>} : memref<512xf32, #tpu.memory_space<vmem>>, vector<16xf32>,
    %get3A_622 = arith.constant 200 : index
    %get3A_623 = tpu.vector_load %arg8[%get3A_622] {strides = array<i32>} : memref<512xf32, #tpu.memory_space<vmem>>, vector<16xf32>,
    %get3A_624 = vector.shape_cast %get3A_623 : vector<16xf32> to vector<16xf32>
    %add3A_625 = arith.addf %add3A_617, %get3A_624 : vector<16xf32>
    %swap3A_626 = arith.constant 192 : index
    %swap3A_627 = tpu.vector_load %arg8[%swap3A_626] {strides = array<i32>} : memref<512xf32, #tpu.memory_space<vmem>>, vector<16xf32>,
    %swap3A_628 = vector.shape_cast %swap3A_627 : vector<16xf32> to vector<16xf32>
    %swap3A_629 = vector.shape_cast %add3A_625 : vector<16xf32> to vector<16xf32>
    tpu.vector_store %arg8[%swap3A_626], %swap3A_629 {strides = array<i32>} : memref<512xf32, #tpu.memory_space<vmem>>, vector<16xf32>,
    %get3A_630 = arith.constant 196 : index
    %get3A_631 = tpu.vector_load %arg8[%get3A_630] {strides = array<i32>} : memref<512xf32, #tpu.memory_space<vmem>>, vector<16xf32>,
    %get3A_632 = vector.shape_cast %get3A_631 : vector<16xf32> to vector<16xf32>
    %add3A_633 = arith.addf %add3A_625, %get3A_632 : vector<16xf32>
    %swap3A_634 = arith.constant 192 : index
    %swap3A_635 = tpu.vector_load %arg8[%swap3A_634] {strides = array<i32>} : memref<512xf32, #tpu.memory_space<vmem>>, vector<16xf32>,
    %swap3A_636 = vector.shape_cast %swap3A_635 : vector<16xf32> to vector<16xf32>
    %swap3A_637 = vector.shape_cast %add3A_633 : vector<16xf32> to vector<16xf32>
    tpu.vector_store %arg8[%swap3A_634], %swap3A_637 {strides = array<i32>} : memref<512xf32, #tpu.memory_space<vmem>>, vector<16xf32>,
    %get3A_638 = arith.constant 194 : index
    %get3A_639 = tpu.vector_load %arg8[%get3A_638] {strides = array<i32>} : memref<512xf32, #tpu.memory_space<vmem>>, vector<16xf32>,
    %get3A_640 = vector.shape_cast %get3A_639 : vector<16xf32> to vector<16xf32>
    %add3A_641 = arith.addf %add3A_633, %get3A_640 : vector<16xf32>
    %swap3A_642 = arith.constant 192 : index
    %swap3A_643 = tpu.vector_load %arg8[%swap3A_642] {strides = array<i32>} : memref<512xf32, #tpu.memory_space<vmem>>, vector<16xf32>,
    %swap3A_644 = vector.shape_cast %swap3A_643 : vector<16xf32> to vector<16xf32>
    %swap3A_645 = vector.shape_cast %add3A_641 : vector<16xf32> to vector<16xf32>
    tpu.vector_store %arg8[%swap3A_642], %swap3A_645 {strides = array<i32>} : memref<512xf32, #tpu.memory_space<vmem>>, vector<16xf32>,
    %get3A_646 = arith.constant 193 : index
    %get3A_647 = tpu.vector_load %arg8[%get3A_646] {strides = array<i32>} : memref<512xf32, #tpu.memory_space<vmem>>, vector<16xf32>,
    %get3A_648 = vector.shape_cast %get3A_647 : vector<16xf32> to vector<16xf32>
    %add3A_649 = arith.addf %add3A_641, %get3A_648 : vector<16xf32>
    %eq3A_650 = arith.constant 6 : i32
    %eq3A_651 = vector.broadcast %eq3A_650 : i32 to vector<16xi32>
    %eq3A_652 = arith.cmpi eq, %iota3A, %eq3A_651 : vector<16xi32>
    %slice3A_653 = vector.extract_strided_slice %add3A_649 {offsets = [0], sizes = [1], strides = [1]} : vector<16xf32> to vector<1xf32>
    %squeeze3A_654 = vector.extract %slice3A_653[0] : f32 from vector<1xf32>
    %broadcast_in_dim3A_655 = vector.broadcast %squeeze3A_654 : f32 to vector<16xf32>
    %select_n3A_656 = arith.select %eq3A_652, %broadcast_in_dim3A_655, %select_n3A_595 : vector<16xi1>, vector<16xf32>
    %get3A_657 = arith.constant 0 : i32
    %get3A_658 = arith.constant 7 : i32
    %get3A_659 = arith.index_cast %get3A_657 : i32 to index
    %get3A_660 = arith.index_cast %get3A_658 : i32 to index
    %get3A_661 = arith.index_cast %multiple_of3A_164 : i32 to index
    %get3A_662 = tpu.vector_load %arg6[%get3A_659, %get3A_660, %get3A_661] {strides = array<i32>} : memref<1x16x256xf32, #tpu.memory_space<vmem>>, vector<1x1x16xf32>,
    %get3A_663 = vector.shape_cast %get3A_662 : vector<1x1x16xf32> to vector<16xf32>
    %add3A_664 = arith.constant 16 : i32
    %add3A_665 = arith.addi %multiple_of3A_164, %add3A_664 : i32
    %get3A_666 = arith.constant 0 : i32
    %get3A_667 = arith.constant 7 : i32
    %get3A_668 = arith.index_cast %get3A_666 : i32 to index
    %get3A_669 = arith.index_cast %get3A_667 : i32 to index
    %get3A_670 = arith.index_cast %add3A_665 : i32 to index
    %get3A_671 = tpu.vector_load %arg6[%get3A_668, %get3A_669, %get3A_670] {strides = array<i32>} : memref<1x16x256xf32, #tpu.memory_space<vmem>>, vector<1x1x16xf32>,
    %get3A_672 = vector.shape_cast %get3A_671 : vector<1x1x16xf32> to vector<16xf32>
    %mul3A_673 = arith.mulf %get3A_663, %add3A_219 : vector<16xf32>
    %mul3A_674 = arith.mulf %get3A_672, %add3A_226 : vector<16xf32>
    %jit3A_675 = arith.constant 0.000000e+00 : f32
    %broadcast_in_dim3A_676 = vector.broadcast %jit3A_675 : f32 to vector<16xf32>
    %select_n3A_677 = arith.select %ne3A_229, %mul3A_674, %broadcast_in_dim3A_676 : vector<16xi1>, vector<16xf32>
    %add3A_678 = arith.addf %mul3A_673, %select_n3A_677 : vector<16xf32>
    %swap3A_679 = arith.constant 224 : index
    %swap3A_680 = tpu.vector_load %arg8[%swap3A_679] {strides = array<i32>} : memref<512xf32, #tpu.memory_space<vmem>>, vector<16xf32>,
    %swap3A_681 = vector.shape_cast %swap3A_680 : vector<16xf32> to vector<16xf32>
    %swap3A_682 = vector.shape_cast %add3A_678 : vector<16xf32> to vector<16xf32>
    tpu.vector_store %arg8[%swap3A_679], %swap3A_682 {strides = array<i32>} : memref<512xf32, #tpu.memory_space<vmem>>, vector<16xf32>,
    %get3A_683 = arith.constant 232 : index
    %get3A_684 = tpu.vector_load %arg8[%get3A_683] {strides = array<i32>} : memref<512xf32, #tpu.memory_space<vmem>>, vector<16xf32>,
    %get3A_685 = vector.shape_cast %get3A_684 : vector<16xf32> to vector<16xf32>
    %add3A_686 = arith.addf %add3A_678, %get3A_685 : vector<16xf32>
    %swap3A_687 = arith.constant 224 : index
    %swap3A_688 = tpu.vector_load %arg8[%swap3A_687] {strides = array<i32>} : memref<512xf32, #tpu.memory_space<vmem>>, vector<16xf32>,
    %swap3A_689 = vector.shape_cast %swap3A_688 : vector<16xf32> to vector<16xf32>
    %swap3A_690 = vector.shape_cast %add3A_686 : vector<16xf32> to vector<16xf32>
    tpu.vector_store %arg8[%swap3A_687], %swap3A_690 {strides = array<i32>} : memref<512xf32, #tpu.memory_space<vmem>>, vector<16xf32>,
    %get3A_691 = arith.constant 228 : index
    %get3A_692 = tpu.vector_load %arg8[%get3A_691] {strides = array<i32>} : memref<512xf32, #tpu.memory_space<vmem>>, vector<16xf32>,
    %get3A_693 = vector.shape_cast %get3A_692 : vector<16xf32> to vector<16xf32>
    %add3A_694 = arith.addf %add3A_686, %get3A_693 : vector<16xf32>
    %swap3A_695 = arith.constant 224 : index
    %swap3A_696 = tpu.vector_load %arg8[%swap3A_695] {strides = array<i32>} : memref<512xf32, #tpu.memory_space<vmem>>, vector<16xf32>,
    %swap3A_697 = vector.shape_cast %swap3A_696 : vector<16xf32> to vector<16xf32>
    %swap3A_698 = vector.shape_cast %add3A_694 : vector<16xf32> to vector<16xf32>
    tpu.vector_store %arg8[%swap3A_695], %swap3A_698 {strides = array<i32>} : memref<512xf32, #tpu.memory_space<vmem>>, vector<16xf32>,
    %get3A_699 = arith.constant 226 : index
    %get3A_700 = tpu.vector_load %arg8[%get3A_699] {strides = array<i32>} : memref<512xf32, #tpu.memory_space<vmem>>, vector<16xf32>,
    %get3A_701 = vector.shape_cast %get3A_700 : vector<16xf32> to vector<16xf32>
    %add3A_702 = arith.addf %add3A_694, %get3A_701 : vector<16xf32>
    %swap3A_703 = arith.constant 224 : index
    %swap3A_704 = tpu.vector_load %arg8[%swap3A_703] {strides = array<i32>} : memref<512xf32, #tpu.memory_space<vmem>>, vector<16xf32>,
    %swap3A_705 = vector.shape_cast %swap3A_704 : vector<16xf32> to vector<16xf32>
    %swap3A_706 = vector.shape_cast %add3A_702 : vector<16xf32> to vector<16xf32>
    tpu.vector_store %arg8[%swap3A_703], %swap3A_706 {strides = array<i32>} : memref<512xf32, #tpu.memory_space<vmem>>, vector<16xf32>,
    %get3A_707 = arith.constant 225 : index
    %get3A_708 = tpu.vector_load %arg8[%get3A_707] {strides = array<i32>} : memref<512xf32, #tpu.memory_space<vmem>>, vector<16xf32>,
    %get3A_709 = vector.shape_cast %get3A_708 : vector<16xf32> to vector<16xf32>
    %add3A_710 = arith.addf %add3A_702, %get3A_709 : vector<16xf32>
    %eq3A_711 = arith.constant 7 : i32
    %eq3A_712 = vector.broadcast %eq3A_711 : i32 to vector<16xi32>
    %eq3A_713 = arith.cmpi eq, %iota3A, %eq3A_712 : vector<16xi32>
    %slice3A_714 = vector.extract_strided_slice %add3A_710 {offsets = [0], sizes = [1], strides = [1]} : vector<16xf32> to vector<1xf32>
    %squeeze3A_715 = vector.extract %slice3A_714[0] : f32 from vector<1xf32>
    %broadcast_in_dim3A_716 = vector.broadcast %squeeze3A_715 : f32 to vector<16xf32>
    %select_n3A_717 = arith.select %eq3A_713, %broadcast_in_dim3A_716, %select_n3A_656 : vector<16xi1>, vector<16xf32>
    %get3A_718 = arith.constant 0 : i32
    %get3A_719 = arith.constant 8 : i32
    %get3A_720 = arith.index_cast %get3A_718 : i32 to index
    %get3A_721 = arith.index_cast %get3A_719 : i32 to index
    %get3A_722 = arith.index_cast %multiple_of3A_164 : i32 to index
    %get3A_723 = tpu.vector_load %arg6[%get3A_720, %get3A_721, %get3A_722] {strides = array<i32>} : memref<1x16x256xf32, #tpu.memory_space<vmem>>, vector<1x1x16xf32>,
    %get3A_724 = vector.shape_cast %get3A_723 : vector<1x1x16xf32> to vector<16xf32>
    %add3A_725 = arith.constant 16 : i32
    %add3A_726 = arith.addi %multiple_of3A_164, %add3A_725 : i32
    %get3A_727 = arith.constant 0 : i32
    %get3A_728 = arith.constant 8 : i32
    %get3A_729 = arith.index_cast %get3A_727 : i32 to index
    %get3A_730 = arith.index_cast %get3A_728 : i32 to index
    %get3A_731 = arith.index_cast %add3A_726 : i32 to index
    %get3A_732 = tpu.vector_load %arg6[%get3A_729, %get3A_730, %get3A_731] {strides = array<i32>} : memref<1x16x256xf32, #tpu.memory_space<vmem>>, vector<1x1x16xf32>,
    %get3A_733 = vector.shape_cast %get3A_732 : vector<1x1x16xf32> to vector<16xf32>
    %mul3A_734 = arith.mulf %get3A_724, %add3A_219 : vector<16xf32>
    %mul3A_735 = arith.mulf %get3A_733, %add3A_226 : vector<16xf32>
    %jit3A_736 = arith.constant 0.000000e+00 : f32
    %broadcast_in_dim3A_737 = vector.broadcast %jit3A_736 : f32 to vector<16xf32>
    %select_n3A_738 = arith.select %ne3A_229, %mul3A_735, %broadcast_in_dim3A_737 : vector<16xi1>, vector<16xf32>
    %add3A_739 = arith.addf %mul3A_734, %select_n3A_738 : vector<16xf32>
    %swap3A_740 = arith.constant 256 : index
    %swap3A_741 = tpu.vector_load %arg8[%swap3A_740] {strides = array<i32>} : memref<512xf32, #tpu.memory_space<vmem>>, vector<16xf32>,
    %swap3A_742 = vector.shape_cast %swap3A_741 : vector<16xf32> to vector<16xf32>
    %swap3A_743 = vector.shape_cast %add3A_739 : vector<16xf32> to vector<16xf32>
    tpu.vector_store %arg8[%swap3A_740], %swap3A_743 {strides = array<i32>} : memref<512xf32, #tpu.memory_space<vmem>>, vector<16xf32>,
    %get3A_744 = arith.constant 264 : index
    %get3A_745 = tpu.vector_load %arg8[%get3A_744] {strides = array<i32>} : memref<512xf32, #tpu.memory_space<vmem>>, vector<16xf32>,
    %get3A_746 = vector.shape_cast %get3A_745 : vector<16xf32> to vector<16xf32>
    %add3A_747 = arith.addf %add3A_739, %get3A_746 : vector<16xf32>
    %swap3A_748 = arith.constant 256 : index
    %swap3A_749 = tpu.vector_load %arg8[%swap3A_748] {strides = array<i32>} : memref<512xf32, #tpu.memory_space<vmem>>, vector<16xf32>,
    %swap3A_750 = vector.shape_cast %swap3A_749 : vector<16xf32> to vector<16xf32>
    %swap3A_751 = vector.shape_cast %add3A_747 : vector<16xf32> to vector<16xf32>
    tpu.vector_store %arg8[%swap3A_748], %swap3A_751 {strides = array<i32>} : memref<512xf32, #tpu.memory_space<vmem>>, vector<16xf32>,
    %get3A_752 = arith.constant 260 : index
    %get3A_753 = tpu.vector_load %arg8[%get3A_752] {strides = array<i32>} : memref<512xf32, #tpu.memory_space<vmem>>, vector<16xf32>,
    %get3A_754 = vector.shape_cast %get3A_753 : vector<16xf32> to vector<16xf32>
    %add3A_755 = arith.addf %add3A_747, %get3A_754 : vector<16xf32>
    %swap3A_756 = arith.constant 256 : index
    %swap3A_757 = tpu.vector_load %arg8[%swap3A_756] {strides = array<i32>} : memref<512xf32, #tpu.memory_space<vmem>>, vector<16xf32>,
    %swap3A_758 = vector.shape_cast %swap3A_757 : vector<16xf32> to vector<16xf32>
    %swap3A_759 = vector.shape_cast %add3A_755 : vector<16xf32> to vector<16xf32>
    tpu.vector_store %arg8[%swap3A_756], %swap3A_759 {strides = array<i32>} : memref<512xf32, #tpu.memory_space<vmem>>, vector<16xf32>,
    %get3A_760 = arith.constant 258 : index
    %get3A_761 = tpu.vector_load %arg8[%get3A_760] {strides = array<i32>} : memref<512xf32, #tpu.memory_space<vmem>>, vector<16xf32>,
    %get3A_762 = vector.shape_cast %get3A_761 : vector<16xf32> to vector<16xf32>
    %add3A_763 = arith.addf %add3A_755, %get3A_762 : vector<16xf32>
    %swap3A_764 = arith.constant 256 : index
    %swap3A_765 = tpu.vector_load %arg8[%swap3A_764] {strides = array<i32>} : memref<512xf32, #tpu.memory_space<vmem>>, vector<16xf32>,
    %swap3A_766 = vector.shape_cast %swap3A_765 : vector<16xf32> to vector<16xf32>
    %swap3A_767 = vector.shape_cast %add3A_763 : vector<16xf32> to vector<16xf32>
    tpu.vector_store %arg8[%swap3A_764], %swap3A_767 {strides = array<i32>} : memref<512xf32, #tpu.memory_space<vmem>>, vector<16xf32>,
    %get3A_768 = arith.constant 257 : index
    %get3A_769 = tpu.vector_load %arg8[%get3A_768] {strides = array<i32>} : memref<512xf32, #tpu.memory_space<vmem>>, vector<16xf32>,
    %get3A_770 = vector.shape_cast %get3A_769 : vector<16xf32> to vector<16xf32>
    %add3A_771 = arith.addf %add3A_763, %get3A_770 : vector<16xf32>
    %eq3A_772 = arith.constant 8 : i32
    %eq3A_773 = vector.broadcast %eq3A_772 : i32 to vector<16xi32>
    %eq3A_774 = arith.cmpi eq, %iota3A, %eq3A_773 : vector<16xi32>
    %slice3A_775 = vector.extract_strided_slice %add3A_771 {offsets = [0], sizes = [1], strides = [1]} : vector<16xf32> to vector<1xf32>
    %squeeze3A_776 = vector.extract %slice3A_775[0] : f32 from vector<1xf32>
    %broadcast_in_dim3A_777 = vector.broadcast %squeeze3A_776 : f32 to vector<16xf32>
    %select_n3A_778 = arith.select %eq3A_774, %broadcast_in_dim3A_777, %select_n3A_717 : vector<16xi1>, vector<16xf32>
    %get3A_779 = arith.constant 0 : i32
    %get3A_780 = arith.constant 9 : i32
    %get3A_781 = arith.index_cast %get3A_779 : i32 to index
    %get3A_782 = arith.index_cast %get3A_780 : i32 to index
    %get3A_783 = arith.index_cast %multiple_of3A_164 : i32 to index
    %get3A_784 = tpu.vector_load %arg6[%get3A_781, %get3A_782, %get3A_783] {strides = array<i32>} : memref<1x16x256xf32, #tpu.memory_space<vmem>>, vector<1x1x16xf32>,
    %get3A_785 = vector.shape_cast %get3A_784 : vector<1x1x16xf32> to vector<16xf32>
    %add3A_786 = arith.constant 16 : i32
    %add3A_787 = arith.addi %multiple_of3A_164, %add3A_786 : i32
    %get3A_788 = arith.constant 0 : i32
    %get3A_789 = arith.constant 9 : i32
    %get3A_790 = arith.index_cast %get3A_788 : i32 to index
    %get3A_791 = arith.index_cast %get3A_789 : i32 to index
    %get3A_792 = arith.index_cast %add3A_787 : i32 to index
    %get3A_793 = tpu.vector_load %arg6[%get3A_790, %get3A_791, %get3A_792] {strides = array<i32>} : memref<1x16x256xf32, #tpu.memory_space<vmem>>, vector<1x1x16xf32>,
    %get3A_794 = vector.shape_cast %get3A_793 : vector<1x1x16xf32> to vector<16xf32>
    %mul3A_795 = arith.mulf %get3A_785, %add3A_219 : vector<16xf32>
    %mul3A_796 = arith.mulf %get3A_794, %add3A_226 : vector<16xf32>
    %jit3A_797 = arith.constant 0.000000e+00 : f32
    %broadcast_in_dim3A_798 = vector.broadcast %jit3A_797 : f32 to vector<16xf32>
    %select_n3A_799 = arith.select %ne3A_229, %mul3A_796, %broadcast_in_dim3A_798 : vector<16xi1>, vector<16xf32>
    %add3A_800 = arith.addf %mul3A_795, %select_n3A_799 : vector<16xf32>
    %swap3A_801 = arith.constant 288 : index
    %swap3A_802 = tpu.vector_load %arg8[%swap3A_801] {strides = array<i32>} : memref<512xf32, #tpu.memory_space<vmem>>, vector<16xf32>,
    %swap3A_803 = vector.shape_cast %swap3A_802 : vector<16xf32> to vector<16xf32>
    %swap3A_804 = vector.shape_cast %add3A_800 : vector<16xf32> to vector<16xf32>
    tpu.vector_store %arg8[%swap3A_801], %swap3A_804 {strides = array<i32>} : memref<512xf32, #tpu.memory_space<vmem>>, vector<16xf32>,
    %get3A_805 = arith.constant 296 : index
    %get3A_806 = tpu.vector_load %arg8[%get3A_805] {strides = array<i32>} : memref<512xf32, #tpu.memory_space<vmem>>, vector<16xf32>,
    %get3A_807 = vector.shape_cast %get3A_806 : vector<16xf32> to vector<16xf32>
    %add3A_808 = arith.addf %add3A_800, %get3A_807 : vector<16xf32>
    %swap3A_809 = arith.constant 288 : index
    %swap3A_810 = tpu.vector_load %arg8[%swap3A_809] {strides = array<i32>} : memref<512xf32, #tpu.memory_space<vmem>>, vector<16xf32>,
    %swap3A_811 = vector.shape_cast %swap3A_810 : vector<16xf32> to vector<16xf32>
    %swap3A_812 = vector.shape_cast %add3A_808 : vector<16xf32> to vector<16xf32>
    tpu.vector_store %arg8[%swap3A_809], %swap3A_812 {strides = array<i32>} : memref<512xf32, #tpu.memory_space<vmem>>, vector<16xf32>,
    %get3A_813 = arith.constant 292 : index
    %get3A_814 = tpu.vector_load %arg8[%get3A_813] {strides = array<i32>} : memref<512xf32, #tpu.memory_space<vmem>>, vector<16xf32>,
    %get3A_815 = vector.shape_cast %get3A_814 : vector<16xf32> to vector<16xf32>
    %add3A_816 = arith.addf %add3A_808, %get3A_815 : vector<16xf32>
    %swap3A_817 = arith.constant 288 : index
    %swap3A_818 = tpu.vector_load %arg8[%swap3A_817] {strides = array<i32>} : memref<512xf32, #tpu.memory_space<vmem>>, vector<16xf32>,
    %swap3A_819 = vector.shape_cast %swap3A_818 : vector<16xf32> to vector<16xf32>
    %swap3A_820 = vector.shape_cast %add3A_816 : vector<16xf32> to vector<16xf32>
    tpu.vector_store %arg8[%swap3A_817], %swap3A_820 {strides = array<i32>} : memref<512xf32, #tpu.memory_space<vmem>>, vector<16xf32>,
    %get3A_821 = arith.constant 290 : index
    %get3A_822 = tpu.vector_load %arg8[%get3A_821] {strides = array<i32>} : memref<512xf32, #tpu.memory_space<vmem>>, vector<16xf32>,
    %get3A_823 = vector.shape_cast %get3A_822 : vector<16xf32> to vector<16xf32>
    %add3A_824 = arith.addf %add3A_816, %get3A_823 : vector<16xf32>
    %swap3A_825 = arith.constant 288 : index
    %swap3A_826 = tpu.vector_load %arg8[%swap3A_825] {strides = array<i32>} : memref<512xf32, #tpu.memory_space<vmem>>, vector<16xf32>,
    %swap3A_827 = vector.shape_cast %swap3A_826 : vector<16xf32> to vector<16xf32>
    %swap3A_828 = vector.shape_cast %add3A_824 : vector<16xf32> to vector<16xf32>
    tpu.vector_store %arg8[%swap3A_825], %swap3A_828 {strides = array<i32>} : memref<512xf32, #tpu.memory_space<vmem>>, vector<16xf32>,
    %get3A_829 = arith.constant 289 : index
    %get3A_830 = tpu.vector_load %arg8[%get3A_829] {strides = array<i32>} : memref<512xf32, #tpu.memory_space<vmem>>, vector<16xf32>,
    %get3A_831 = vector.shape_cast %get3A_830 : vector<16xf32> to vector<16xf32>
    %add3A_832 = arith.addf %add3A_824, %get3A_831 : vector<16xf32>
    %eq3A_833 = arith.constant 9 : i32
    %eq3A_834 = vector.broadcast %eq3A_833 : i32 to vector<16xi32>
    %eq3A_835 = arith.cmpi eq, %iota3A, %eq3A_834 : vector<16xi32>
    %slice3A_836 = vector.extract_strided_slice %add3A_832 {offsets = [0], sizes = [1], strides = [1]} : vector<16xf32> to vector<1xf32>
    %squeeze3A_837 = vector.extract %slice3A_836[0] : f32 from vector<1xf32>
    %broadcast_in_dim3A_838 = vector.broadcast %squeeze3A_837 : f32 to vector<16xf32>
    %select_n3A_839 = arith.select %eq3A_835, %broadcast_in_dim3A_838, %select_n3A_778 : vector<16xi1>, vector<16xf32>
    %get3A_840 = arith.constant 0 : i32
    %get3A_841 = arith.constant 10 : i32
    %get3A_842 = arith.index_cast %get3A_840 : i32 to index
    %get3A_843 = arith.index_cast %get3A_841 : i32 to index
    %get3A_844 = arith.index_cast %multiple_of3A_164 : i32 to index
    %get3A_845 = tpu.vector_load %arg6[%get3A_842, %get3A_843, %get3A_844] {strides = array<i32>} : memref<1x16x256xf32, #tpu.memory_space<vmem>>, vector<1x1x16xf32>,
    %get3A_846 = vector.shape_cast %get3A_845 : vector<1x1x16xf32> to vector<16xf32>
    %add3A_847 = arith.constant 16 : i32
    %add3A_848 = arith.addi %multiple_of3A_164, %add3A_847 : i32
    %get3A_849 = arith.constant 0 : i32
    %get3A_850 = arith.constant 10 : i32
    %get3A_851 = arith.index_cast %get3A_849 : i32 to index
    %get3A_852 = arith.index_cast %get3A_850 : i32 to index
    %get3A_853 = arith.index_cast %add3A_848 : i32 to index
    %get3A_854 = tpu.vector_load %arg6[%get3A_851, %get3A_852, %get3A_853] {strides = array<i32>} : memref<1x16x256xf32, #tpu.memory_space<vmem>>, vector<1x1x16xf32>,
    %get3A_855 = vector.shape_cast %get3A_854 : vector<1x1x16xf32> to vector<16xf32>
    %mul3A_856 = arith.mulf %get3A_846, %add3A_219 : vector<16xf32>
    %mul3A_857 = arith.mulf %get3A_855, %add3A_226 : vector<16xf32>
    %jit3A_858 = arith.constant 0.000000e+00 : f32
    %broadcast_in_dim3A_859 = vector.broadcast %jit3A_858 : f32 to vector<16xf32>
    %select_n3A_860 = arith.select %ne3A_229, %mul3A_857, %broadcast_in_dim3A_859 : vector<16xi1>, vector<16xf32>
    %add3A_861 = arith.addf %mul3A_856, %select_n3A_860 : vector<16xf32>
    %swap3A_862 = arith.constant 320 : index
    %swap3A_863 = tpu.vector_load %arg8[%swap3A_862] {strides = array<i32>} : memref<512xf32, #tpu.memory_space<vmem>>, vector<16xf32>,
    %swap3A_864 = vector.shape_cast %swap3A_863 : vector<16xf32> to vector<16xf32>
    %swap3A_865 = vector.shape_cast %add3A_861 : vector<16xf32> to vector<16xf32>
    tpu.vector_store %arg8[%swap3A_862], %swap3A_865 {strides = array<i32>} : memref<512xf32, #tpu.memory_space<vmem>>, vector<16xf32>,
    %get3A_866 = arith.constant 328 : index
    %get3A_867 = tpu.vector_load %arg8[%get3A_866] {strides = array<i32>} : memref<512xf32, #tpu.memory_space<vmem>>, vector<16xf32>,
    %get3A_868 = vector.shape_cast %get3A_867 : vector<16xf32> to vector<16xf32>
    %add3A_869 = arith.addf %add3A_861, %get3A_868 : vector<16xf32>
    %swap3A_870 = arith.constant 320 : index
    %swap3A_871 = tpu.vector_load %arg8[%swap3A_870] {strides = array<i32>} : memref<512xf32, #tpu.memory_space<vmem>>, vector<16xf32>,
    %swap3A_872 = vector.shape_cast %swap3A_871 : vector<16xf32> to vector<16xf32>
    %swap3A_873 = vector.shape_cast %add3A_869 : vector<16xf32> to vector<16xf32>
    tpu.vector_store %arg8[%swap3A_870], %swap3A_873 {strides = array<i32>} : memref<512xf32, #tpu.memory_space<vmem>>, vector<16xf32>,
    %get3A_874 = arith.constant 324 : index
    %get3A_875 = tpu.vector_load %arg8[%get3A_874] {strides = array<i32>} : memref<512xf32, #tpu.memory_space<vmem>>, vector<16xf32>,
    %get3A_876 = vector.shape_cast %get3A_875 : vector<16xf32> to vector<16xf32>
    %add3A_877 = arith.addf %add3A_869, %get3A_876 : vector<16xf32>
    %swap3A_878 = arith.constant 320 : index
    %swap3A_879 = tpu.vector_load %arg8[%swap3A_878] {strides = array<i32>} : memref<512xf32, #tpu.memory_space<vmem>>, vector<16xf32>,
    %swap3A_880 = vector.shape_cast %swap3A_879 : vector<16xf32> to vector<16xf32>
    %swap3A_881 = vector.shape_cast %add3A_877 : vector<16xf32> to vector<16xf32>
    tpu.vector_store %arg8[%swap3A_878], %swap3A_881 {strides = array<i32>} : memref<512xf32, #tpu.memory_space<vmem>>, vector<16xf32>,
    %get3A_882 = arith.constant 322 : index
    %get3A_883 = tpu.vector_load %arg8[%get3A_882] {strides = array<i32>} : memref<512xf32, #tpu.memory_space<vmem>>, vector<16xf32>,
    %get3A_884 = vector.shape_cast %get3A_883 : vector<16xf32> to vector<16xf32>
    %add3A_885 = arith.addf %add3A_877, %get3A_884 : vector<16xf32>
    %swap3A_886 = arith.constant 320 : index
    %swap3A_887 = tpu.vector_load %arg8[%swap3A_886] {strides = array<i32>} : memref<512xf32, #tpu.memory_space<vmem>>, vector<16xf32>,
    %swap3A_888 = vector.shape_cast %swap3A_887 : vector<16xf32> to vector<16xf32>
    %swap3A_889 = vector.shape_cast %add3A_885 : vector<16xf32> to vector<16xf32>
    tpu.vector_store %arg8[%swap3A_886], %swap3A_889 {strides = array<i32>} : memref<512xf32, #tpu.memory_space<vmem>>, vector<16xf32>,
    %get3A_890 = arith.constant 321 : index
    %get3A_891 = tpu.vector_load %arg8[%get3A_890] {strides = array<i32>} : memref<512xf32, #tpu.memory_space<vmem>>, vector<16xf32>,
    %get3A_892 = vector.shape_cast %get3A_891 : vector<16xf32> to vector<16xf32>
    %add3A_893 = arith.addf %add3A_885, %get3A_892 : vector<16xf32>
    %eq3A_894 = arith.constant 10 : i32
    %eq3A_895 = vector.broadcast %eq3A_894 : i32 to vector<16xi32>
    %eq3A_896 = arith.cmpi eq, %iota3A, %eq3A_895 : vector<16xi32>
    %slice3A_897 = vector.extract_strided_slice %add3A_893 {offsets = [0], sizes = [1], strides = [1]} : vector<16xf32> to vector<1xf32>
    %squeeze3A_898 = vector.extract %slice3A_897[0] : f32 from vector<1xf32>
    %broadcast_in_dim3A_899 = vector.broadcast %squeeze3A_898 : f32 to vector<16xf32>
    %select_n3A_900 = arith.select %eq3A_896, %broadcast_in_dim3A_899, %select_n3A_839 : vector<16xi1>, vector<16xf32>
    %get3A_901 = arith.constant 0 : i32
    %get3A_902 = arith.constant 11 : i32
    %get3A_903 = arith.index_cast %get3A_901 : i32 to index
    %get3A_904 = arith.index_cast %get3A_902 : i32 to index
    %get3A_905 = arith.index_cast %multiple_of3A_164 : i32 to index
    %get3A_906 = tpu.vector_load %arg6[%get3A_903, %get3A_904, %get3A_905] {strides = array<i32>} : memref<1x16x256xf32, #tpu.memory_space<vmem>>, vector<1x1x16xf32>,
    %get3A_907 = vector.shape_cast %get3A_906 : vector<1x1x16xf32> to vector<16xf32>
    %add3A_908 = arith.constant 16 : i32
    %add3A_909 = arith.addi %multiple_of3A_164, %add3A_908 : i32
    %get3A_910 = arith.constant 0 : i32
    %get3A_911 = arith.constant 11 : i32
    %get3A_912 = arith.index_cast %get3A_910 : i32 to index
    %get3A_913 = arith.index_cast %get3A_911 : i32 to index
    %get3A_914 = arith.index_cast %add3A_909 : i32 to index
    %get3A_915 = tpu.vector_load %arg6[%get3A_912, %get3A_913, %get3A_914] {strides = array<i32>} : memref<1x16x256xf32, #tpu.memory_space<vmem>>, vector<1x1x16xf32>,
    %get3A_916 = vector.shape_cast %get3A_915 : vector<1x1x16xf32> to vector<16xf32>
    %mul3A_917 = arith.mulf %get3A_907, %add3A_219 : vector<16xf32>
    %mul3A_918 = arith.mulf %get3A_916, %add3A_226 : vector<16xf32>
    %jit3A_919 = arith.constant 0.000000e+00 : f32
    %broadcast_in_dim3A_920 = vector.broadcast %jit3A_919 : f32 to vector<16xf32>
    %select_n3A_921 = arith.select %ne3A_229, %mul3A_918, %broadcast_in_dim3A_920 : vector<16xi1>, vector<16xf32>
    %add3A_922 = arith.addf %mul3A_917, %select_n3A_921 : vector<16xf32>
    %swap3A_923 = arith.constant 352 : index
    %swap3A_924 = tpu.vector_load %arg8[%swap3A_923] {strides = array<i32>} : memref<512xf32, #tpu.memory_space<vmem>>, vector<16xf32>,
    %swap3A_925 = vector.shape_cast %swap3A_924 : vector<16xf32> to vector<16xf32>
    %swap3A_926 = vector.shape_cast %add3A_922 : vector<16xf32> to vector<16xf32>
    tpu.vector_store %arg8[%swap3A_923], %swap3A_926 {strides = array<i32>} : memref<512xf32, #tpu.memory_space<vmem>>, vector<16xf32>,
    %get3A_927 = arith.constant 360 : index
    %get3A_928 = tpu.vector_load %arg8[%get3A_927] {strides = array<i32>} : memref<512xf32, #tpu.memory_space<vmem>>, vector<16xf32>,
    %get3A_929 = vector.shape_cast %get3A_928 : vector<16xf32> to vector<16xf32>
    %add3A_930 = arith.addf %add3A_922, %get3A_929 : vector<16xf32>
    %swap3A_931 = arith.constant 352 : index
    %swap3A_932 = tpu.vector_load %arg8[%swap3A_931] {strides = array<i32>} : memref<512xf32, #tpu.memory_space<vmem>>, vector<16xf32>,
    %swap3A_933 = vector.shape_cast %swap3A_932 : vector<16xf32> to vector<16xf32>
    %swap3A_934 = vector.shape_cast %add3A_930 : vector<16xf32> to vector<16xf32>
    tpu.vector_store %arg8[%swap3A_931], %swap3A_934 {strides = array<i32>} : memref<512xf32, #tpu.memory_space<vmem>>, vector<16xf32>,
    %get3A_935 = arith.constant 356 : index
    %get3A_936 = tpu.vector_load %arg8[%get3A_935] {strides = array<i32>} : memref<512xf32, #tpu.memory_space<vmem>>, vector<16xf32>,
    %get3A_937 = vector.shape_cast %get3A_936 : vector<16xf32> to vector<16xf32>
    %add3A_938 = arith.addf %add3A_930, %get3A_937 : vector<16xf32>
    %swap3A_939 = arith.constant 352 : index
    %swap3A_940 = tpu.vector_load %arg8[%swap3A_939] {strides = array<i32>} : memref<512xf32, #tpu.memory_space<vmem>>, vector<16xf32>,
    %swap3A_941 = vector.shape_cast %swap3A_940 : vector<16xf32> to vector<16xf32>
    %swap3A_942 = vector.shape_cast %add3A_938 : vector<16xf32> to vector<16xf32>
    tpu.vector_store %arg8[%swap3A_939], %swap3A_942 {strides = array<i32>} : memref<512xf32, #tpu.memory_space<vmem>>, vector<16xf32>,
    %get3A_943 = arith.constant 354 : index
    %get3A_944 = tpu.vector_load %arg8[%get3A_943] {strides = array<i32>} : memref<512xf32, #tpu.memory_space<vmem>>, vector<16xf32>,
    %get3A_945 = vector.shape_cast %get3A_944 : vector<16xf32> to vector<16xf32>
    %add3A_946 = arith.addf %add3A_938, %get3A_945 : vector<16xf32>
    %swap3A_947 = arith.constant 352 : index
    %swap3A_948 = tpu.vector_load %arg8[%swap3A_947] {strides = array<i32>} : memref<512xf32, #tpu.memory_space<vmem>>, vector<16xf32>,
    %swap3A_949 = vector.shape_cast %swap3A_948 : vector<16xf32> to vector<16xf32>
    %swap3A_950 = vector.shape_cast %add3A_946 : vector<16xf32> to vector<16xf32>
    tpu.vector_store %arg8[%swap3A_947], %swap3A_950 {strides = array<i32>} : memref<512xf32, #tpu.memory_space<vmem>>, vector<16xf32>,
    %get3A_951 = arith.constant 353 : index
    %get3A_952 = tpu.vector_load %arg8[%get3A_951] {strides = array<i32>} : memref<512xf32, #tpu.memory_space<vmem>>, vector<16xf32>,
    %get3A_953 = vector.shape_cast %get3A_952 : vector<16xf32> to vector<16xf32>
    %add3A_954 = arith.addf %add3A_946, %get3A_953 : vector<16xf32>
    %eq3A_955 = arith.constant 11 : i32
    %eq3A_956 = vector.broadcast %eq3A_955 : i32 to vector<16xi32>
    %eq3A_957 = arith.cmpi eq, %iota3A, %eq3A_956 : vector<16xi32>
    %slice3A_958 = vector.extract_strided_slice %add3A_954 {offsets = [0], sizes = [1], strides = [1]} : vector<16xf32> to vector<1xf32>
    %squeeze3A_959 = vector.extract %slice3A_958[0] : f32 from vector<1xf32>
    %broadcast_in_dim3A_960 = vector.broadcast %squeeze3A_959 : f32 to vector<16xf32>
    %select_n3A_961 = arith.select %eq3A_957, %broadcast_in_dim3A_960, %select_n3A_900 : vector<16xi1>, vector<16xf32>
    %get3A_962 = arith.constant 0 : i32
    %get3A_963 = arith.constant 12 : i32
    %get3A_964 = arith.index_cast %get3A_962 : i32 to index
    %get3A_965 = arith.index_cast %get3A_963 : i32 to index
    %get3A_966 = arith.index_cast %multiple_of3A_164 : i32 to index
    %get3A_967 = tpu.vector_load %arg6[%get3A_964, %get3A_965, %get3A_966] {strides = array<i32>} : memref<1x16x256xf32, #tpu.memory_space<vmem>>, vector<1x1x16xf32>,
    %get3A_968 = vector.shape_cast %get3A_967 : vector<1x1x16xf32> to vector<16xf32>
    %add3A_969 = arith.constant 16 : i32
    %add3A_970 = arith.addi %multiple_of3A_164, %add3A_969 : i32
    %get3A_971 = arith.constant 0 : i32
    %get3A_972 = arith.constant 12 : i32
    %get3A_973 = arith.index_cast %get3A_971 : i32 to index
    %get3A_974 = arith.index_cast %get3A_972 : i32 to index
    %get3A_975 = arith.index_cast %add3A_970 : i32 to index
    %get3A_976 = tpu.vector_load %arg6[%get3A_973, %get3A_974, %get3A_975] {strides = array<i32>} : memref<1x16x256xf32, #tpu.memory_space<vmem>>, vector<1x1x16xf32>,
    %get3A_977 = vector.shape_cast %get3A_976 : vector<1x1x16xf32> to vector<16xf32>
    %mul3A_978 = arith.mulf %get3A_968, %add3A_219 : vector<16xf32>
    %mul3A_979 = arith.mulf %get3A_977, %add3A_226 : vector<16xf32>
    %jit3A_980 = arith.constant 0.000000e+00 : f32
    %broadcast_in_dim3A_981 = vector.broadcast %jit3A_980 : f32 to vector<16xf32>
    %select_n3A_982 = arith.select %ne3A_229, %mul3A_979, %broadcast_in_dim3A_981 : vector<16xi1>, vector<16xf32>
    %add3A_983 = arith.addf %mul3A_978, %select_n3A_982 : vector<16xf32>
    %swap3A_984 = arith.constant 384 : index
    %swap3A_985 = tpu.vector_load %arg8[%swap3A_984] {strides = array<i32>} : memref<512xf32, #tpu.memory_space<vmem>>, vector<16xf32>,
    %swap3A_986 = vector.shape_cast %swap3A_985 : vector<16xf32> to vector<16xf32>
    %swap3A_987 = vector.shape_cast %add3A_983 : vector<16xf32> to vector<16xf32>
    tpu.vector_store %arg8[%swap3A_984], %swap3A_987 {strides = array<i32>} : memref<512xf32, #tpu.memory_space<vmem>>, vector<16xf32>,
    %get3A_988 = arith.constant 392 : index
    %get3A_989 = tpu.vector_load %arg8[%get3A_988] {strides = array<i32>} : memref<512xf32, #tpu.memory_space<vmem>>, vector<16xf32>,
    %get3A_990 = vector.shape_cast %get3A_989 : vector<16xf32> to vector<16xf32>
    %add3A_991 = arith.addf %add3A_983, %get3A_990 : vector<16xf32>
    %swap3A_992 = arith.constant 384 : index
    %swap3A_993 = tpu.vector_load %arg8[%swap3A_992] {strides = array<i32>} : memref<512xf32, #tpu.memory_space<vmem>>, vector<16xf32>,
    %swap3A_994 = vector.shape_cast %swap3A_993 : vector<16xf32> to vector<16xf32>
    %swap3A_995 = vector.shape_cast %add3A_991 : vector<16xf32> to vector<16xf32>
    tpu.vector_store %arg8[%swap3A_992], %swap3A_995 {strides = array<i32>} : memref<512xf32, #tpu.memory_space<vmem>>, vector<16xf32>,
    %get3A_996 = arith.constant 388 : index
    %get3A_997 = tpu.vector_load %arg8[%get3A_996] {strides = array<i32>} : memref<512xf32, #tpu.memory_space<vmem>>, vector<16xf32>,
    %get3A_998 = vector.shape_cast %get3A_997 : vector<16xf32> to vector<16xf32>
    %add3A_999 = arith.addf %add3A_991, %get3A_998 : vector<16xf32>
    %swap3A_1000 = arith.constant 384 : index
    %swap3A_1001 = tpu.vector_load %arg8[%swap3A_1000] {strides = array<i32>} : memref<512xf32, #tpu.memory_space<vmem>>, vector<16xf32>,
    %swap3A_1002 = vector.shape_cast %swap3A_1001 : vector<16xf32> to vector<16xf32>
    %swap3A_1003 = vector.shape_cast %add3A_999 : vector<16xf32> to vector<16xf32>
    tpu.vector_store %arg8[%swap3A_1000], %swap3A_1003 {strides = array<i32>} : memref<512xf32, #tpu.memory_space<vmem>>, vector<16xf32>,
    %get3A_1004 = arith.constant 386 : index
    %get3A_1005 = tpu.vector_load %arg8[%get3A_1004] {strides = array<i32>} : memref<512xf32, #tpu.memory_space<vmem>>, vector<16xf32>,
    %get3A_1006 = vector.shape_cast %get3A_1005 : vector<16xf32> to vector<16xf32>
    %add3A_1007 = arith.addf %add3A_999, %get3A_1006 : vector<16xf32>
    %swap3A_1008 = arith.constant 384 : index
    %swap3A_1009 = tpu.vector_load %arg8[%swap3A_1008] {strides = array<i32>} : memref<512xf32, #tpu.memory_space<vmem>>, vector<16xf32>,
    %swap3A_1010 = vector.shape_cast %swap3A_1009 : vector<16xf32> to vector<16xf32>
    %swap3A_1011 = vector.shape_cast %add3A_1007 : vector<16xf32> to vector<16xf32>
    tpu.vector_store %arg8[%swap3A_1008], %swap3A_1011 {strides = array<i32>} : memref<512xf32, #tpu.memory_space<vmem>>, vector<16xf32>,
    %get3A_1012 = arith.constant 385 : index
    %get3A_1013 = tpu.vector_load %arg8[%get3A_1012] {strides = array<i32>} : memref<512xf32, #tpu.memory_space<vmem>>, vector<16xf32>,
    %get3A_1014 = vector.shape_cast %get3A_1013 : vector<16xf32> to vector<16xf32>
    %add3A_1015 = arith.addf %add3A_1007, %get3A_1014 : vector<16xf32>
    %eq3A_1016 = arith.constant 12 : i32
    %eq3A_1017 = vector.broadcast %eq3A_1016 : i32 to vector<16xi32>
    %eq3A_1018 = arith.cmpi eq, %iota3A, %eq3A_1017 : vector<16xi32>
    %slice3A_1019 = vector.extract_strided_slice %add3A_1015 {offsets = [0], sizes = [1], strides = [1]} : vector<16xf32> to vector<1xf32>
    %squeeze3A_1020 = vector.extract %slice3A_1019[0] : f32 from vector<1xf32>
    %broadcast_in_dim3A_1021 = vector.broadcast %squeeze3A_1020 : f32 to vector<16xf32>
    %select_n3A_1022 = arith.select %eq3A_1018, %broadcast_in_dim3A_1021, %select_n3A_961 : vector<16xi1>, vector<16xf32>
    %get3A_1023 = arith.constant 0 : i32
    %get3A_1024 = arith.constant 13 : i32
    %get3A_1025 = arith.index_cast %get3A_1023 : i32 to index
    %get3A_1026 = arith.index_cast %get3A_1024 : i32 to index
    %get3A_1027 = arith.index_cast %multiple_of3A_164 : i32 to index
    %get3A_1028 = tpu.vector_load %arg6[%get3A_1025, %get3A_1026, %get3A_1027] {strides = array<i32>} : memref<1x16x256xf32, #tpu.memory_space<vmem>>, vector<1x1x16xf32>,
    %get3A_1029 = vector.shape_cast %get3A_1028 : vector<1x1x16xf32> to vector<16xf32>
    %add3A_1030 = arith.constant 16 : i32
    %add3A_1031 = arith.addi %multiple_of3A_164, %add3A_1030 : i32
    %get3A_1032 = arith.constant 0 : i32
    %get3A_1033 = arith.constant 13 : i32
    %get3A_1034 = arith.index_cast %get3A_1032 : i32 to index
    %get3A_1035 = arith.index_cast %get3A_1033 : i32 to index
    %get3A_1036 = arith.index_cast %add3A_1031 : i32 to index
    %get3A_1037 = tpu.vector_load %arg6[%get3A_1034, %get3A_1035, %get3A_1036] {strides = array<i32>} : memref<1x16x256xf32, #tpu.memory_space<vmem>>, vector<1x1x16xf32>,
    %get3A_1038 = vector.shape_cast %get3A_1037 : vector<1x1x16xf32> to vector<16xf32>
    %mul3A_1039 = arith.mulf %get3A_1029, %add3A_219 : vector<16xf32>
    %mul3A_1040 = arith.mulf %get3A_1038, %add3A_226 : vector<16xf32>
    %jit3A_1041 = arith.constant 0.000000e+00 : f32
    %broadcast_in_dim3A_1042 = vector.broadcast %jit3A_1041 : f32 to vector<16xf32>
    %select_n3A_1043 = arith.select %ne3A_229, %mul3A_1040, %broadcast_in_dim3A_1042 : vector<16xi1>, vector<16xf32>
    %add3A_1044 = arith.addf %mul3A_1039, %select_n3A_1043 : vector<16xf32>
    %swap3A_1045 = arith.constant 416 : index
    %swap3A_1046 = tpu.vector_load %arg8[%swap3A_1045] {strides = array<i32>} : memref<512xf32, #tpu.memory_space<vmem>>, vector<16xf32>,
    %swap3A_1047 = vector.shape_cast %swap3A_1046 : vector<16xf32> to vector<16xf32>
    %swap3A_1048 = vector.shape_cast %add3A_1044 : vector<16xf32> to vector<16xf32>
    tpu.vector_store %arg8[%swap3A_1045], %swap3A_1048 {strides = array<i32>} : memref<512xf32, #tpu.memory_space<vmem>>, vector<16xf32>,
    %get3A_1049 = arith.constant 424 : index
    %get3A_1050 = tpu.vector_load %arg8[%get3A_1049] {strides = array<i32>} : memref<512xf32, #tpu.memory_space<vmem>>, vector<16xf32>,
    %get3A_1051 = vector.shape_cast %get3A_1050 : vector<16xf32> to vector<16xf32>
    %add3A_1052 = arith.addf %add3A_1044, %get3A_1051 : vector<16xf32>
    %swap3A_1053 = arith.constant 416 : index
    %swap3A_1054 = tpu.vector_load %arg8[%swap3A_1053] {strides = array<i32>} : memref<512xf32, #tpu.memory_space<vmem>>, vector<16xf32>,
    %swap3A_1055 = vector.shape_cast %swap3A_1054 : vector<16xf32> to vector<16xf32>
    %swap3A_1056 = vector.shape_cast %add3A_1052 : vector<16xf32> to vector<16xf32>
    tpu.vector_store %arg8[%swap3A_1053], %swap3A_1056 {strides = array<i32>} : memref<512xf32, #tpu.memory_space<vmem>>, vector<16xf32>,
    %get3A_1057 = arith.constant 420 : index
    %get3A_1058 = tpu.vector_load %arg8[%get3A_1057] {strides = array<i32>} : memref<512xf32, #tpu.memory_space<vmem>>, vector<16xf32>,
    %get3A_1059 = vector.shape_cast %get3A_1058 : vector<16xf32> to vector<16xf32>
    %add3A_1060 = arith.addf %add3A_1052, %get3A_1059 : vector<16xf32>
    %swap3A_1061 = arith.constant 416 : index
    %swap3A_1062 = tpu.vector_load %arg8[%swap3A_1061] {strides = array<i32>} : memref<512xf32, #tpu.memory_space<vmem>>, vector<16xf32>,
    %swap3A_1063 = vector.shape_cast %swap3A_1062 : vector<16xf32> to vector<16xf32>
    %swap3A_1064 = vector.shape_cast %add3A_1060 : vector<16xf32> to vector<16xf32>
    tpu.vector_store %arg8[%swap3A_1061], %swap3A_1064 {strides = array<i32>} : memref<512xf32, #tpu.memory_space<vmem>>, vector<16xf32>,
    %get3A_1065 = arith.constant 418 : index
    %get3A_1066 = tpu.vector_load %arg8[%get3A_1065] {strides = array<i32>} : memref<512xf32, #tpu.memory_space<vmem>>, vector<16xf32>,
    %get3A_1067 = vector.shape_cast %get3A_1066 : vector<16xf32> to vector<16xf32>
    %add3A_1068 = arith.addf %add3A_1060, %get3A_1067 : vector<16xf32>
    %swap3A_1069 = arith.constant 416 : index
    %swap3A_1070 = tpu.vector_load %arg8[%swap3A_1069] {strides = array<i32>} : memref<512xf32, #tpu.memory_space<vmem>>, vector<16xf32>,
    %swap3A_1071 = vector.shape_cast %swap3A_1070 : vector<16xf32> to vector<16xf32>
    %swap3A_1072 = vector.shape_cast %add3A_1068 : vector<16xf32> to vector<16xf32>
    tpu.vector_store %arg8[%swap3A_1069], %swap3A_1072 {strides = array<i32>} : memref<512xf32, #tpu.memory_space<vmem>>, vector<16xf32>,
    %get3A_1073 = arith.constant 417 : index
    %get3A_1074 = tpu.vector_load %arg8[%get3A_1073] {strides = array<i32>} : memref<512xf32, #tpu.memory_space<vmem>>, vector<16xf32>,
    %get3A_1075 = vector.shape_cast %get3A_1074 : vector<16xf32> to vector<16xf32>
    %add3A_1076 = arith.addf %add3A_1068, %get3A_1075 : vector<16xf32>
    %eq3A_1077 = arith.constant 13 : i32
    %eq3A_1078 = vector.broadcast %eq3A_1077 : i32 to vector<16xi32>
    %eq3A_1079 = arith.cmpi eq, %iota3A, %eq3A_1078 : vector<16xi32>
    %slice3A_1080 = vector.extract_strided_slice %add3A_1076 {offsets = [0], sizes = [1], strides = [1]} : vector<16xf32> to vector<1xf32>
    %squeeze3A_1081 = vector.extract %slice3A_1080[0] : f32 from vector<1xf32>
    %broadcast_in_dim3A_1082 = vector.broadcast %squeeze3A_1081 : f32 to vector<16xf32>
    %select_n3A_1083 = arith.select %eq3A_1079, %broadcast_in_dim3A_1082, %select_n3A_1022 : vector<16xi1>, vector<16xf32>
    %get3A_1084 = arith.constant 0 : i32
    %get3A_1085 = arith.constant 14 : i32
    %get3A_1086 = arith.index_cast %get3A_1084 : i32 to index
    %get3A_1087 = arith.index_cast %get3A_1085 : i32 to index
    %get3A_1088 = arith.index_cast %multiple_of3A_164 : i32 to index
    %get3A_1089 = tpu.vector_load %arg6[%get3A_1086, %get3A_1087, %get3A_1088] {strides = array<i32>} : memref<1x16x256xf32, #tpu.memory_space<vmem>>, vector<1x1x16xf32>,
    %get3A_1090 = vector.shape_cast %get3A_1089 : vector<1x1x16xf32> to vector<16xf32>
    %add3A_1091 = arith.constant 16 : i32
    %add3A_1092 = arith.addi %multiple_of3A_164, %add3A_1091 : i32
    %get3A_1093 = arith.constant 0 : i32
    %get3A_1094 = arith.constant 14 : i32
    %get3A_1095 = arith.index_cast %get3A_1093 : i32 to index
    %get3A_1096 = arith.index_cast %get3A_1094 : i32 to index
    %get3A_1097 = arith.index_cast %add3A_1092 : i32 to index
    %get3A_1098 = tpu.vector_load %arg6[%get3A_1095, %get3A_1096, %get3A_1097] {strides = array<i32>} : memref<1x16x256xf32, #tpu.memory_space<vmem>>, vector<1x1x16xf32>,
    %get3A_1099 = vector.shape_cast %get3A_1098 : vector<1x1x16xf32> to vector<16xf32>
    %mul3A_1100 = arith.mulf %get3A_1090, %add3A_219 : vector<16xf32>
    %mul3A_1101 = arith.mulf %get3A_1099, %add3A_226 : vector<16xf32>
    %jit3A_1102 = arith.constant 0.000000e+00 : f32
    %broadcast_in_dim3A_1103 = vector.broadcast %jit3A_1102 : f32 to vector<16xf32>
    %select_n3A_1104 = arith.select %ne3A_229, %mul3A_1101, %broadcast_in_dim3A_1103 : vector<16xi1>, vector<16xf32>
    %add3A_1105 = arith.addf %mul3A_1100, %select_n3A_1104 : vector<16xf32>
    %swap3A_1106 = arith.constant 448 : index
    %swap3A_1107 = tpu.vector_load %arg8[%swap3A_1106] {strides = array<i32>} : memref<512xf32, #tpu.memory_space<vmem>>, vector<16xf32>,
    %swap3A_1108 = vector.shape_cast %swap3A_1107 : vector<16xf32> to vector<16xf32>
    %swap3A_1109 = vector.shape_cast %add3A_1105 : vector<16xf32> to vector<16xf32>
    tpu.vector_store %arg8[%swap3A_1106], %swap3A_1109 {strides = array<i32>} : memref<512xf32, #tpu.memory_space<vmem>>, vector<16xf32>,
    %get3A_1110 = arith.constant 456 : index
    %get3A_1111 = tpu.vector_load %arg8[%get3A_1110] {strides = array<i32>} : memref<512xf32, #tpu.memory_space<vmem>>, vector<16xf32>,
    %get3A_1112 = vector.shape_cast %get3A_1111 : vector<16xf32> to vector<16xf32>
    %add3A_1113 = arith.addf %add3A_1105, %get3A_1112 : vector<16xf32>
    %swap3A_1114 = arith.constant 448 : index
    %swap3A_1115 = tpu.vector_load %arg8[%swap3A_1114] {strides = array<i32>} : memref<512xf32, #tpu.memory_space<vmem>>, vector<16xf32>,
    %swap3A_1116 = vector.shape_cast %swap3A_1115 : vector<16xf32> to vector<16xf32>
    %swap3A_1117 = vector.shape_cast %add3A_1113 : vector<16xf32> to vector<16xf32>
    tpu.vector_store %arg8[%swap3A_1114], %swap3A_1117 {strides = array<i32>} : memref<512xf32, #tpu.memory_space<vmem>>, vector<16xf32>,
    %get3A_1118 = arith.constant 452 : index
    %get3A_1119 = tpu.vector_load %arg8[%get3A_1118] {strides = array<i32>} : memref<512xf32, #tpu.memory_space<vmem>>, vector<16xf32>,
    %get3A_1120 = vector.shape_cast %get3A_1119 : vector<16xf32> to vector<16xf32>
    %add3A_1121 = arith.addf %add3A_1113, %get3A_1120 : vector<16xf32>
    %swap3A_1122 = arith.constant 448 : index
    %swap3A_1123 = tpu.vector_load %arg8[%swap3A_1122] {strides = array<i32>} : memref<512xf32, #tpu.memory_space<vmem>>, vector<16xf32>,
    %swap3A_1124 = vector.shape_cast %swap3A_1123 : vector<16xf32> to vector<16xf32>
    %swap3A_1125 = vector.shape_cast %add3A_1121 : vector<16xf32> to vector<16xf32>
    tpu.vector_store %arg8[%swap3A_1122], %swap3A_1125 {strides = array<i32>} : memref<512xf32, #tpu.memory_space<vmem>>, vector<16xf32>,
    %get3A_1126 = arith.constant 450 : index
    %get3A_1127 = tpu.vector_load %arg8[%get3A_1126] {strides = array<i32>} : memref<512xf32, #tpu.memory_space<vmem>>, vector<16xf32>,
    %get3A_1128 = vector.shape_cast %get3A_1127 : vector<16xf32> to vector<16xf32>
    %add3A_1129 = arith.addf %add3A_1121, %get3A_1128 : vector<16xf32>
    %swap3A_1130 = arith.constant 448 : index
    %swap3A_1131 = tpu.vector_load %arg8[%swap3A_1130] {strides = array<i32>} : memref<512xf32, #tpu.memory_space<vmem>>, vector<16xf32>,
    %swap3A_1132 = vector.shape_cast %swap3A_1131 : vector<16xf32> to vector<16xf32>
    %swap3A_1133 = vector.shape_cast %add3A_1129 : vector<16xf32> to vector<16xf32>
    tpu.vector_store %arg8[%swap3A_1130], %swap3A_1133 {strides = array<i32>} : memref<512xf32, #tpu.memory_space<vmem>>, vector<16xf32>,
    %get3A_1134 = arith.constant 449 : index
    %get3A_1135 = tpu.vector_load %arg8[%get3A_1134] {strides = array<i32>} : memref<512xf32, #tpu.memory_space<vmem>>, vector<16xf32>,
    %get3A_1136 = vector.shape_cast %get3A_1135 : vector<16xf32> to vector<16xf32>
    %add3A_1137 = arith.addf %add3A_1129, %get3A_1136 : vector<16xf32>
    %eq3A_1138 = arith.constant 14 : i32
    %eq3A_1139 = vector.broadcast %eq3A_1138 : i32 to vector<16xi32>
    %eq3A_1140 = arith.cmpi eq, %iota3A, %eq3A_1139 : vector<16xi32>
    %slice3A_1141 = vector.extract_strided_slice %add3A_1137 {offsets = [0], sizes = [1], strides = [1]} : vector<16xf32> to vector<1xf32>
    %squeeze3A_1142 = vector.extract %slice3A_1141[0] : f32 from vector<1xf32>
    %broadcast_in_dim3A_1143 = vector.broadcast %squeeze3A_1142 : f32 to vector<16xf32>
    %select_n3A_1144 = arith.select %eq3A_1140, %broadcast_in_dim3A_1143, %select_n3A_1083 : vector<16xi1>, vector<16xf32>
    %get3A_1145 = arith.constant 0 : i32
    %get3A_1146 = arith.constant 15 : i32
    %get3A_1147 = arith.index_cast %get3A_1145 : i32 to index
    %get3A_1148 = arith.index_cast %get3A_1146 : i32 to index
    %get3A_1149 = arith.index_cast %multiple_of3A_164 : i32 to index
    %get3A_1150 = tpu.vector_load %arg6[%get3A_1147, %get3A_1148, %get3A_1149] {strides = array<i32>} : memref<1x16x256xf32, #tpu.memory_space<vmem>>, vector<1x1x16xf32>,
    %get3A_1151 = vector.shape_cast %get3A_1150 : vector<1x1x16xf32> to vector<16xf32>
    %add3A_1152 = arith.constant 16 : i32
    %add3A_1153 = arith.addi %multiple_of3A_164, %add3A_1152 : i32
    %get3A_1154 = arith.constant 0 : i32
    %get3A_1155 = arith.constant 15 : i32
    %get3A_1156 = arith.index_cast %get3A_1154 : i32 to index
    %get3A_1157 = arith.index_cast %get3A_1155 : i32 to index
    %get3A_1158 = arith.index_cast %add3A_1153 : i32 to index
    %get3A_1159 = tpu.vector_load %arg6[%get3A_1156, %get3A_1157, %get3A_1158] {strides = array<i32>} : memref<1x16x256xf32, #tpu.memory_space<vmem>>, vector<1x1x16xf32>,
    %get3A_1160 = vector.shape_cast %get3A_1159 : vector<1x1x16xf32> to vector<16xf32>
    %mul3A_1161 = arith.mulf %get3A_1151, %add3A_219 : vector<16xf32>
    %mul3A_1162 = arith.mulf %get3A_1160, %add3A_226 : vector<16xf32>
    %jit3A_1163 = arith.constant 0.000000e+00 : f32
    %broadcast_in_dim3A_1164 = vector.broadcast %jit3A_1163 : f32 to vector<16xf32>
    %select_n3A_1165 = arith.select %ne3A_229, %mul3A_1162, %broadcast_in_dim3A_1164 : vector<16xi1>, vector<16xf32>
    %add3A_1166 = arith.addf %mul3A_1161, %select_n3A_1165 : vector<16xf32>
    %swap3A_1167 = arith.constant 480 : index
    %swap3A_1168 = tpu.vector_load %arg8[%swap3A_1167] {strides = array<i32>} : memref<512xf32, #tpu.memory_space<vmem>>, vector<16xf32>,
    %swap3A_1169 = vector.shape_cast %swap3A_1168 : vector<16xf32> to vector<16xf32>
    %swap3A_1170 = vector.shape_cast %add3A_1166 : vector<16xf32> to vector<16xf32>
    tpu.vector_store %arg8[%swap3A_1167], %swap3A_1170 {strides = array<i32>} : memref<512xf32, #tpu.memory_space<vmem>>, vector<16xf32>,
    %get3A_1171 = arith.constant 488 : index
    %get3A_1172 = tpu.vector_load %arg8[%get3A_1171] {strides = array<i32>} : memref<512xf32, #tpu.memory_space<vmem>>, vector<16xf32>,
    %get3A_1173 = vector.shape_cast %get3A_1172 : vector<16xf32> to vector<16xf32>
    %add3A_1174 = arith.addf %add3A_1166, %get3A_1173 : vector<16xf32>
    %swap3A_1175 = arith.constant 480 : index
    %swap3A_1176 = tpu.vector_load %arg8[%swap3A_1175] {strides = array<i32>} : memref<512xf32, #tpu.memory_space<vmem>>, vector<16xf32>,
    %swap3A_1177 = vector.shape_cast %swap3A_1176 : vector<16xf32> to vector<16xf32>
    %swap3A_1178 = vector.shape_cast %add3A_1174 : vector<16xf32> to vector<16xf32>
    tpu.vector_store %arg8[%swap3A_1175], %swap3A_1178 {strides = array<i32>} : memref<512xf32, #tpu.memory_space<vmem>>, vector<16xf32>,
    %get3A_1179 = arith.constant 484 : index
    %get3A_1180 = tpu.vector_load %arg8[%get3A_1179] {strides = array<i32>} : memref<512xf32, #tpu.memory_space<vmem>>, vector<16xf32>,
    %get3A_1181 = vector.shape_cast %get3A_1180 : vector<16xf32> to vector<16xf32>
    %add3A_1182 = arith.addf %add3A_1174, %get3A_1181 : vector<16xf32>
    %swap3A_1183 = arith.constant 480 : index
    %swap3A_1184 = tpu.vector_load %arg8[%swap3A_1183] {strides = array<i32>} : memref<512xf32, #tpu.memory_space<vmem>>, vector<16xf32>,
    %swap3A_1185 = vector.shape_cast %swap3A_1184 : vector<16xf32> to vector<16xf32>
    %swap3A_1186 = vector.shape_cast %add3A_1182 : vector<16xf32> to vector<16xf32>
    tpu.vector_store %arg8[%swap3A_1183], %swap3A_1186 {strides = array<i32>} : memref<512xf32, #tpu.memory_space<vmem>>, vector<16xf32>,
    %get3A_1187 = arith.constant 482 : index
    %get3A_1188 = tpu.vector_load %arg8[%get3A_1187] {strides = array<i32>} : memref<512xf32, #tpu.memory_space<vmem>>, vector<16xf32>,
    %get3A_1189 = vector.shape_cast %get3A_1188 : vector<16xf32> to vector<16xf32>
    %add3A_1190 = arith.addf %add3A_1182, %get3A_1189 : vector<16xf32>
    %swap3A_1191 = arith.constant 480 : index
    %swap3A_1192 = tpu.vector_load %arg8[%swap3A_1191] {strides = array<i32>} : memref<512xf32, #tpu.memory_space<vmem>>, vector<16xf32>,
    %swap3A_1193 = vector.shape_cast %swap3A_1192 : vector<16xf32> to vector<16xf32>
    %swap3A_1194 = vector.shape_cast %add3A_1190 : vector<16xf32> to vector<16xf32>
    tpu.vector_store %arg8[%swap3A_1191], %swap3A_1194 {strides = array<i32>} : memref<512xf32, #tpu.memory_space<vmem>>, vector<16xf32>,
    %get3A_1195 = arith.constant 481 : index
    %get3A_1196 = tpu.vector_load %arg8[%get3A_1195] {strides = array<i32>} : memref<512xf32, #tpu.memory_space<vmem>>, vector<16xf32>,
    %get3A_1197 = vector.shape_cast %get3A_1196 : vector<16xf32> to vector<16xf32>
    %add3A_1198 = arith.addf %add3A_1190, %get3A_1197 : vector<16xf32>
    %eq3A_1199 = arith.constant 15 : i32
    %eq3A_1200 = vector.broadcast %eq3A_1199 : i32 to vector<16xi32>
    %eq3A_1201 = arith.cmpi eq, %iota3A, %eq3A_1200 : vector<16xi32>
    %slice3A_1202 = vector.extract_strided_slice %add3A_1198 {offsets = [0], sizes = [1], strides = [1]} : vector<16xf32> to vector<1xf32>
    %squeeze3A_1203 = vector.extract %slice3A_1202[0] : f32 from vector<1xf32>
    %broadcast_in_dim3A_1204 = vector.broadcast %squeeze3A_1203 : f32 to vector<16xf32>
    %select_n3A_1205 = arith.select %eq3A_1201, %broadcast_in_dim3A_1204, %select_n3A_1144 : vector<16xi1>, vector<16xf32>
    %swap3A_1206 = arith.constant 0 : index
    %swap3A_1207 = tpu.vector_load %arg7[%swap3A_1206] {strides = array<i32>} : memref<16xf32, #tpu.memory_space<vmem>>, vector<16xf32>,
    %swap3A_1208 = vector.shape_cast %swap3A_1207 : vector<16xf32> to vector<16xf32>
    %swap3A_1209 = vector.shape_cast %select_n3A_1205 : vector<16xf32> to vector<16xf32>
    tpu.vector_store %arg7[%swap3A_1206], %swap3A_1209 {strides = array<i32>} : memref<16xf32, #tpu.memory_space<vmem>>, vector<16xf32>,
    %mul3A_1210 = arith.constant 16 : i32
    %mul3A_1211 = arith.muli %min3A_0, %mul3A_1210 : i32
    %multiple_of3A_1212 = tpu.assume_multiple %mul3A_1211, 16 : i32
    "tpu.region"() ({
      %run_scoped3A = tpu.sem_alloc : memref<!tpu.dma_semaphore, #tpu.memory_space<semaphore_mem>>
      %dma_start3A_1213 = tpu.memref_slice %arg4[%multiple_of3A_1212] : memref<240xf32, #tpu.memory_space<hbm>> -> memref<16xf32, #tpu.memory_space<hbm>>
      %dma_start3A_1214 = tpu.memref_slice %arg4[%multiple_of3A_1212] : memref<240xf32, #tpu.memory_space<hbm>> -> memref<16xf32, #tpu.memory_space<hbm>>
      tpu.enqueue_dma source(%arg7 : memref<16xf32, #tpu.memory_space<vmem>>) target(%dma_start3A_1214 : memref<16xf32, #tpu.memory_space<hbm>>) target_semaphore(%run_scoped3A : memref<!tpu.dma_semaphore, #tpu.memory_space<semaphore_mem>>)
      %dma_wait3A_1215 = tpu.memref_slice %arg4[%multiple_of3A_1212] : memref<240xf32, #tpu.memory_space<hbm>> -> memref<16xf32, #tpu.memory_space<hbm>>
      %dma_wait3A_1216 = tpu.memref_slice %arg4[%multiple_of3A_1212] : memref<240xf32, #tpu.memory_space<hbm>> -> memref<16xf32, #tpu.memory_space<hbm>>
      tpu.wait_dma2 semaphore(%run_scoped3A : memref<!tpu.dma_semaphore, #tpu.memory_space<semaphore_mem>>) src(%arg7 : memref<16xf32, #tpu.memory_space<vmem>>) dst(%dma_wait3A_1216 : memref<16xf32, #tpu.memory_space<hbm>>)
      tpu.yield
    }) : () -> ()
    %barrier3A = arith.constant 0 : index
    tpu.barrier barrier_id(%barrier3A)
    return
  }
}

</mosaic_0001>

<sc_bundles>
// kernel: kernel.3.cloned.1.call-start
scs
__scs_entry_jumppad:
0x0: {  	(pc) =	sbr.rel $0x88, $3  }
0x1: {  	(tag) =	ssettag $0x0;
	lr =	simm.s32 $0x1  }
0x2: {  	[smem:$0x3F9F] =	sst lr;
	_ =	strace $0xD0000000  }
0x3: {  	_ = 	snop  }
0x4: {  	_ = 	snop  }
0x5: {  	_ = 	snop  }
0x6: {  	_ = 	snop  }
0x7: {  	_ = 	snop  }
__scs_overlays_trampoline_lowered:
0x8: {  	[smem:$0x3FAE] =	sst s0  }
0x9: {  	[smem:$0x3FAF] =	sst s1  }
0xa: {  	[smem:$0x3FB0] =	sst s2  }
0xb: {  	[smem:$0x3FB1] =	sst s3  }
0xc: {  	[smem:$0x3FB2] =	sst s4  }
0xd: {  	[smem:$0x3FB3] =	sst s5  }
0xe: {  	[smem:$0x3FB4] =	sst s6  }
0xf: {  	[smem:$0x3FB5] =	sst s7  }
0x10: {  	[smem:$0x3FB6] =	sst s8  }
0x11: {  	[smem:$0x3FB7] =	sst s9;
	s0 =	simm.s32 @!p0 $0x0  }
0x12: {  	s1 =	sld [smem:$0x3F9D];
	s0 =	simm.s32 @p0 $0x1  }
0x13: {  	[smem:$0x3FB8] =	sst s0;
	s0 =	simm.s32 @!p1 $0x0  }
0x14: {  	s2 =	sld [smem:$0x3F9C];
	s0 =	simm.s32 @p1 $0x1  }
0x15: {  	[smem:$0x3FB9] =	sst s0;
	s0 =	simm.s32 @!p2 $0x0  }
0x16: {  	s3 =	sld [smem:$0x3FDB];
	s0 =	simm.s32 @p2 $0x1  }
0x17: {  	s4 =	simm.s32 $0x1BF5;
	[smem:$0x3FBB] =	sst s0  }
0x18: {  	s0 =	sld [smem:$0x3F9E];
	_ =	swait.ge [sflag:s4], $0x0  }
0x19: {  	s7 =	sld [smem:$0x3F9F]  }
0x1a: {  	s8 =	sadd.s32 $0xFFFFE003, lr  }
0x1b: {  	s9 =	sadd.s32 $0xFFFFFEF7, lr;
	s5 =	simm.s32 $0xFFFFFFFF;
	p2 =	slt.u32 s8, $0xFFFFF086  }
0x1c: {  	p1 =	slt.u32 s9, $0xF7A;
	s5 =	simm.s32 @!p2 $0x0  }
0x1d: {  	s5 =	simm.s32 @p1 $0x1;
	p0 =	seq.s32 s7, s2  }
0x1e: {  	s7 =	smul.u32 @!p0 $0xF7A, s2;
	p2 =	seq.s32 @!p0 s5, $0x0  }
0x1f: {  	s9 =	smul.u32 $0xF7A, s1;
	s8 =	simm.s32 @!p0 $0x1BF5;
	p2 =	por !p2, p0  }
0x20: {  	[sflag:s8] =	ssyncset.s32 @!p0 $0xFFFFF086;
	s6 =	sadd.s32 @!p0 s3, s7;
	s7 =	simm.s32 @!p0 $0x108  }
0x21: {  	s3 =	sadd.s32 s3, s9;
	s6 =	sadd.s32 @!p0 $0x88, s6;
	s7 =	simm.s32 @p2 $0x1082  }
0x22: {  	[simem:s7], [sflag:s8] =	dma.local @!p0 [hbm:s6], $0xF7A  }
0x23: {  	s9 =	sor.u32 $0xD0000000, s2;
	s6 =	simm.s32 $0x108;
	_ =	swait.ge @!p0 [sflag:s8], $0x0  }
0x24: {  	s3 =	sadd.s32 $0x88, s3;
	s6 =	simm.s32 @!p1 $0x1082;
	[sflag:s4] =	ssyncset.s32 $0xFFFFF086  }
0x25: {  	[simem:s6], [sflag:s4] =	dma.local [hbm:s3], $0xF7A  }
0x26: {  	[smem:$0x3F9F] =	sst s1;
	(tag) =	ssettag s2;
	_ =	strace s9  }
0x27: {  	s1 =	sld [smem:$0x3FAF]  }
0x28: {  	s2 =	sld [smem:$0x3FB0]  }
0x29: {  	s4 =	sld [smem:$0x3FB2]  }
0x2a: {  	p0 =	seq.s32 s5, $0x0;
	s5 =	sld [smem:$0x3FB3]  }
0x2b: {  	s6 =	sld [smem:$0x3FB4]  }
0x2c: {  	s7 =	sld [smem:$0x3FB5]  }
0x2d: {  	s3 =	simm.s32 $0x108;
	s8 =	sld [smem:$0x3FB6]  }
0x2e: {  	s3 =	simm.s32 @!p0 $0x1082;
	s9 =	sld [smem:$0x3FB7]  }
0x2f: {  	lr =	sadd.s32 s0, s3;
	s0 =	sld [smem:$0x3FAE]  }
0x30: {  	s3 =	sld [smem:$0x3FB1]  }
0x31: {  	[smem:$0x3FBA] =	sst s10  }
0x32: {  	s10 =	sld [smem:$0x3FB8];
	_ =	sdelay $0x3  }
0x33: {  	p0 =	seq.s32 s10, $0x1;
	s10 =	sld [smem:$0x3FBA];
	_ =	sdelay $0x3  }
0x34: {  	[smem:$0x3FBA] =	sst s10  }
0x35: {  	s10 =	sld [smem:$0x3FB9];
	_ =	sdelay $0x3  }
0x36: {  	p1 =	seq.s32 s10, $0x1;
	s10 =	sld [smem:$0x3FBA];
	_ =	sdelay $0x3  }
0x37: {  	[smem:$0x3FBA] =	sst s10  }
0x38: {  	s10 =	sld [smem:$0x3FBB]  }
0x39: {  	_ = 	snop;
	(pc) =	sbr.ind lr, $3  }
0x3a: {  	_ = 	snop  }
0x3b: {  	_ = 	snop  }
0x3c: {  	p2 =	seq.s32 s10, $0x1;
	s10 =	sld [smem:$0x3FBA]  }
0x3d: {  	_ =	shalt  }
0x3e: {  	_ =	shalt  }
0x3f: {  	_ =	shalt  }
0x40: {  	_ =	shalt  }
0x41: {  	_ =	shalt  }
0x42: {  	_ =	shalt  }
0x43: {  	_ =	shalt  }
0x44: {  	_ =	shalt  }
0x45: {  	_ =	shalt  }
0x46: {  	_ =	shalt  }
0x47: {  	_ =	shalt  }
0x48: {  	_ =	shalt  }
0x49: {  	_ =	shalt  }
0x4a: {  	_ =	shalt  }
0x4b: {  	_ =	shalt  }
0x4c: {  	_ =	shalt  }
0x4d: {  	_ =	shalt  }
0x4e: {  	_ =	shalt  }
0x4f: {  	_ =	shalt  }
0x50: {  	_ =	shalt  }
0x51: {  	_ =	shalt  }
0x52: {  	_ =	shalt  }
0x53: {  	_ =	shalt  }
0x54: {  	_ =	shalt  }
0x55: {  	_ =	shalt  }
0x56: {  	_ =	shalt  }
0x57: {  	_ =	shalt  }
0x58: {  	_ =	shalt  }
0x59: {  	_ =	shalt  }
0x5a: {  	_ =	shalt  }
0x5b: {  	_ =	shalt  }
0x5c: {  	_ =	shalt  }
0x5d: {  	_ =	shalt  }
0x5e: {  	_ =	shalt  }
0x5f: {  	_ =	shalt  }
0x60: {  	_ =	shalt  }
0x61: {  	_ =	shalt  }
0x62: {  	_ =	shalt  }
0x63: {  	_ =	shalt  }
0x64: {  	_ =	shalt  }
0x65: {  	_ =	shalt  }
0x66: {  	_ =	shalt  }
0x67: {  	_ =	shalt  }
0x68: {  	_ =	shalt  }
0x69: {  	_ =	shalt  }
0x6a: {  	_ =	shalt  }
0x6b: {  	_ =	shalt  }
0x6c: {  	_ =	shalt  }
0x6d: {  	_ =	shalt  }
0x6e: {  	_ =	shalt  }
0x6f: {  	_ =	shalt  }
0x70: {  	_ =	shalt  }
0x71: {  	_ =	shalt  }
0x72: {  	_ =	shalt  }
0x73: {  	_ =	shalt  }
0x74: {  	_ =	shalt  }
0x75: {  	_ =	shalt  }
0x76: {  	_ =	shalt  }
0x77: {  	_ =	shalt  }
0x78: {  	_ =	shalt  }
0x79: {  	_ =	shalt  }
0x7a: {  	_ =	shalt  }
0x7b: {  	_ =	shalt  }
0x7c: {  	_ =	shalt  }
0x7d: {  	_ =	shalt  }
0x7e: {  	_ =	shalt  }
0x7f: {  	_ =	shalt  }
0x80: {  	_ =	shalt  }
0x81: {  	_ =	shalt  }
0x82: {  	_ =	shalt  }
0x83: {  	_ =	shalt  }
0x84: {  	_ =	shalt  }
0x85: {  	_ =	shalt  }
0x86: {  	_ =	shalt  }
0x87: {  	_ =	shalt  }
.Lfunc_end0:
.L_simem_size_0:
called_computation_lowered:
.L_overlay_start_0:
0x88: {  	s0 =	sld [smem:$0x3FD9]  }
0x89: {  	s1 =	sld [smem:$0x3FFE];
	_ =	sdelay $0x3  }
0x8a: {  	s0 =	sadd.s32 s1, s0  }
0x8b: {  	[smem:$0x3FC6] =	sst s0  }
0x8c: {  	_ = 	snop  }
0x8d: {  	s0 =	sld [smem:$0x3FC9]  }
0x8e: {  	s17 =	sld [smem:$0x3FC8]  }
0x8f: {  	s2 =	sld [smem:$0x3FD0];
	(tm) =	ssettm $0x1  }
0x90: {  	s3 =	sld [smem:$0x3FFB];
	_ =	sdelay $0x3  }
0x91: {  	_ =	strace s3  }
0x92: {  	s3 =	sld [smem:$0x3FFC];
	_ =	sdelay $0x3  }
0x93: {  	_ =	strace s3  }
0x94: {  	s3 =	sld [smem:$0x3FFD];
	_ =	sdelay $0x3  }
0x95: {  	_ =	strace s3  }
0x96: {  	_ =	strace $0x8FFFFFFF  }
0x97: {  	s18 =	sld [smem:$0x3FDB];
	_ =	sdelay $0x1  }
0x98: {  	s4 =	simm.s32 $_scs_section_size  }
0x99: {  	s5 =	simm.s32 $_size__tile_overlayer_lowered;
	s6 =	simm.s32 $_tile_overlayer_lowered  }
0x9a: {  	s21 =	simm.s32 $0x1BFF;
	s20 =	sshll.u32 s6, $0x1;
	s3 =	sadd.s32 s4, s18  }
0x9b: {  	s7 =	simm.s32 $0x0;
	s19 =	sshll.u32 s5, $0x1;
	s5 =	sadd.s32 s20, s3  }
0x9c: {  	[timem:s7], [sflag:s21] =	dma.local [hbm:s5], s19  }
0x9d: {  	_ =	swait.ge [sflag:s21], s19  }
0x9e: {  	s4 =	ssub.s32 $0x0, s19;
	[sflag:s21] =	ssyncset.done $0x0  }
0x9f: {  	[sflag:s21] =	ssyncadd.s32 s4;
	_ =	sdelay $0x1  }
0xa0: {  	s22 =	simm.s32 $0x1B8B  }
0xa1: {  	_ =	swait.ge [sflag:s22], $0x1  }
0xa2: {  	[sflag:s22] =	ssyncset.done $0x0  }
0xa3: {  	s23 =	simm.s32 $0x1B8E;
	[sflag:s22] =	ssyncadd.s32 $0xFFFFFFFF  }
0xa4: {  	s24 =	simm.s32 $execute0_lowered;
	[smem:$0x3FD2] =	sst s23  }
0xa5: {  	s4 =	sshll.u32 s24, $0x1;
	_ =	strace $0x80000046;
	[dreg:$0x1] =	wrdreg $0xFFFFFFFF  }
0xa6: {  	s25 =	simm.s32 $_size_execute0_lowered;
	s3 =	sadd.s32 s3, s4;
	[dreg:$0x0] =	wrdreg $0x0  }
0xa7: {  	s4 =	sshll.u32 s25, $0x1;
	[dreg:$0x2] =	wrdreg s3  }
0xa8: {  	[dreg:$0x3] =	wrdreg s4  }
0xa9: {  	[dreg:$0x4] =	wrdreg $0xC0  }
0xaa: {  	_ =	task [dreg:s7], $0x5FFFF  }
0xab: {  	[dreg:$0x1] =	wrdreg $0xFFFFFFFF  }
0xac: {  	[dreg:$0x0] =	wrdreg $0x60  }
0xad: {  	[dreg:$0x2] =	wrdreg s0  }
0xae: {  	[dreg:$0x3] =	wrdreg s17  }
0xaf: {  	[dreg:$0x4] =	wrdreg s2  }
0xb0: {  	[dreg:$0x5] =	wrdreg $0x9  }
0xb1: {  	_ =	task.clear_ibuf [dreg:s7], $0x6FFFF;
	_ =	strace $0x90000046  }
0xb2: {  	s26 =	simm.s32 $0x9;
	_ =	strace $0x80000048  }
0xb3: {  	_ =	swait.ge [sflag:s26], $0x1  }
0xb4: {  	[sflag:s26] =	ssyncadd.s32 $0xFFFFFFFF  }
0xb5: {  	_ =	strace $0x90000048  }
0xb6: {  	_ =	sfence  }
0xb7: {  	s28 =	sld [smem:$0x0];
	_ =	sdelay $0x1  }
0xb8: {  	s29 =	srdreg.scid  }
0xb9: {  	s30 =	sshll.u32 s29, $0xD;
	s31 =	sshrl.u32 s29, $0x2  }
0xba: {  	s1 =	sand.u32 $0x1, s29;
	s2 =	sand.u32 $0x4000, s30;
	s0 =	sadd.s32 s31, s28  }
0xbb: {  	s1 =	sor.u32 s2, s1;
	s0 =	sshll.u32 s0, $0x11  }
0xbc: {  	s0 =	sor.u32 s0, s1  }
0xbd: {  	s0 =	sadd.s32 $0x8F2B, s0  }
0xbe: {  	[sflag:s0] =	ssyncadd.remote.s32 $0x1  }
0xbf: {  	_ =	sfence.sel $0xFFFF  }
0xc0: {  	[dreg:$0x0] =	wrdreg $0xFFFFFFFF;
	(pc) =	sbr.abs _section_cstart, $3  }
0xc1: {  	[dreg:$0x1] =	wrdreg $0xFFFFFFFF  }
0xc2: {  	_ =	task.clear_ibuf [dreg:s7], $0x2FFFF;
	_ =	strace $0x9FFFFFFF  }
0xc3: {  	(tm) =	ssettm $0x7FFFFFFF  }
tec
execute0_lowered:
.L_overlay_start_1:
0x0: {  	(tag) =	ssettag $0x1  }
0x1: {  	s3 =	rddreg [dreg:$0x0];
	s0 =	simm.s32 $0x0  }
0x2: {  	[smem:$0x7FF] =	sst s0  }
0x3: {  	s8 =	rddreg [dreg:$0x1];
	s29 =	simm.s32 $0x2;
	_ =	strace $0x80000047  }
0x4: {  	[tilespmem:s0], [sflag:$0x2] =	stream.linear.gather [hbm4b:s3+s0], $0x1, $0x38;
	[tilespmem:$0x1300] =	vst v63  }
0x5: {  	_ =	swait.ge [sflag:s29], $0x1  }
0x6: {  	[sflag:s29] =	ssyncset.done $0x0  }
0x7: {  	[sflag:s29] =	ssyncadd.s32 $0xFFFFFFFF  }
0x8: {  	v0 =	vld [tilespmem:$0x0];
	_ =	sdelay $0x4  }
0x9: {  	(v2sf) =	vpush v0, $0x0;
	_ =	sdelay $0xe  }
0xa: {  	s4 =	spop (v2sf)  }
0xb: {  	s4 =	smax.f32 s4, $0.0e+00  }
0xc: {  	s4 =	smin.f32 s4, $1.000000000e+00  }
0xd: {  	s9 =	smul.f32 $9.999900000e+04, s4;
	_ =	sdelay $0x1  }
0xe: {  	s4 =	scvt.f32.s32 s9;
	_ =	sdelay $0x1  }
0xf: {  	s5 =	scvt.s32.f32 s4;
	_ =	sdelay $0x1  }
0x10: {  	p0 =	slt.f32 s9, s5  }
0x11: {  	s5 =	simm.s32 $0x1  }
0x12: {  	s5 =	simm.s32 @!p0 $0x0  }
0x13: {  	s6 =	ssub.s32 s4, s5  }
0x14: {  	s30 =	stileid.u32;
	s13 =	simm.s32 $0xFFFFFFFF;
	s10 =	sadd.s32 $0xFFFFFFFF, s6  }
0x15: {  	s15 =	simm.s32 $0xC3800;
	s0 =	smin.u32 s30, $0xE;
	p0 =	sgt.s32 s10, $0x0  }
0x16: {  	s7 =	smul.u32 $0x34, s0;
	p1 =	slt.s32 s10, $0x1;
	s10 =	simm.s32 @!p0 $0x0  }
0x17: {  	s16 =	simm.s32 $0x80;
	s20 =	simm.s32 $0x1;
	s11 =	smin.u32 s10, $0x1869F  }
0x18: {  	s7 =	sshrl.u32 s7, $0x8;
	s2 =	scvt.s32.f32 s6;
	s12 =	sand.u32 $0x7F, s11  }
0x19: {  	[dreg:$0x4] =	wrdreg s0;
	s31 =	smul.u32 $0x5, s7;
	p4 =	sne.s32 s12, $0x0  }
0x1a: {  	s3 =	simm.s32 $0x800;
	s9 =	ssub.f32 s9, s2;
	p0 =	por !p1, !p4  }
0x1b: {  	s14 =	smul.u32 $0x7A3000, s7;
	s12 =	ssub.s32 s0, s31;
	p0 =	por !p0, !p0  }
0x1c: {  	s4 =	ssub.f32 $0.0e+00, s9;
	s12 =	sand.u32 $0xFF, s12;
	s13 =	simm.s32 @!p0 $0x0  }
0x1d: {  	s25 =	sand.u32 $0xF, s11;
	s12 =	smul.u32 $0x187000, s12;
	s1 =	sshll.u32 s13, $0x7  }
0x1e: {  	p6 =	sne.s32 s25, $0x0;
	s13 =	smul.f32 s9, s9;
	s7 =	sadd.s32 s11, s1  }
0x1f: {  	p1 =	sgt.s32 s6, $0x0;
	s12 =	sadd.s32 s12, s14;
	s7 =	sand.u32 $0xFFFFFF80, s7  }
0x20: {  	s17 =	sadd.f32 s13, s13;
	s5 =	smul.f32 s13, s9;
	p0 =	slt.s32 s7, $0x18600  }
0x21: {  	s12 =	sshrl.u32 s12, $0x3;
	s21 =	ssub.f32 $0.0e+00, s13;
	s7 =	simm.s32 @!p0 $0x18600  }
0x22: {  	s18 =	smul.f32 $3.000000000e+00, s5;
	s12 =	sadd.s32 s12, s7;
	s22 =	ssub.s32 s11, s7  }
0x23: {  	p0 =	sne.s32 s10, s7;
	s10 =	simm.s32 $0x1;
	s12 =	sand.u32 $0x1FFFFF80, s12  }
0x24: {  	s23 =	sshra.s32 s22, $0x1F;
	s10 =	simm.s32 @!p0 $0x0;
	s8 =	sadd.s32 s8, s12  }
0x25: {  	[tilespmem:s16], [sflag:$0x1] =	stream.strided.gather [hbm4b:s8+s3], $0x1000, s15, s3, $0x38;
	[tilespmem:$0x1300] =	vst v63  }
0x26: {  	s11 =	sadd.s32 $0x1, s6;
	s24 =	sor.u32 s10, s23;
	s15 =	sadd.f32 s17, s4  }
0x27: {  	s26 =	sshrl.u32 s23, $0x1C;
	s17 =	smul.f32 $4.000000000e+00, s13;
	s8 =	sadd.f32 s5, s21  }
0x28: {  	s10 =	smov.u32 s6;
	s16 =	smul.f32 $-5.000000000e+00, s13;
	s12 =	ssub.f32 s15, s5  }
0x29: {  	s6 =	sadd.s32 $0x2, s6;
	p5 =	sne.s32 s24, $0x1;
	s9 =	sadd.f32 s17, s9  }
0x2a: {  	s10 =	simm.s32 @!p1 $0x0;
	p0 =	por !p6, !p5;
	s14 =	sadd.f32 $2.000000000e+00, s16  }
0x2b: {  	s28 =	smin.u32 s10, $0x1869F;
	s19 =	smul.f32 $5.000000000e-01, s12;
	s9 =	ssub.f32 s9, s18  }
0x2c: {  	p0 =	por !p0, !p0;
	s14 =	sadd.f32 s18, s14;
	s12 =	smul.f32 $5.000000000e-01, s8  }
0x2d: {  	s8 =	sadd.s32 s26, s22;
	s18 =	smul.f32 $5.000000000e-01, s9;
	s9 =	simm.s32 $0x1  }
0x2e: {  	_ =	swait.ge [sflag:s20], $0x1000;
	s8 =	sshra.s32 s8, $0x4;
	s9 =	simm.s32 @!p0 $0x0  }
0x2f: {  	v1 =	vlaneseq.u32;
	[sflag:s20] =	ssyncset.done $0x0;
	s14 =	smul.f32 $5.000000000e-01, s14;
	v26 =	vmov s19;
	s9 =	ssub.s32 s8, s9  }
0x30: {  	v2 =	vor.u32 $0x10, v1;
	[sflag:s20] =	ssyncadd.s32 $0xFFFFF000;
	v29 =	vmov s12;
	p0 =	sgt.s32 s11, $0x0;
	v0 =	vadd.f32 $0.0e+00, v26;
	s29 =	sshll.u32 s9, $0x4  }
0x31: {  	s11 =	simm.s32 @!p0 $0x0;
	s8 =	ssub.s32 s28, s7;
	p0 =	sgt.s32 s6, $0x0;
	v4 =	vmov s14;
	v27 =	vmov s18;
	v2 =	vadd.s32 s29, v2  }
0x32: {  	s30 =	smin.u32 s11, $0x1869F;
	v0 =	vbroadcast v0, $0x0;
	s6 =	simm.s32 @!p0 $0x0;
	v1 =	vor.u32 s29, v1;
	s31 =	sadd.s32 $0x10, s29;
	vm0 =	veq.s32 v2, s22  }
0x33: {  	s9 =	sshll.u32 s9, $0x7;
	s11 =	ssub.s32 s30, s7;
	vm5 =	veq.s32 v2, s8;
	vm1 =	veq.s32 v1, s22;
	vm6 =	veq.s32 v1, s8;
	s1 =	sshll.u32 s31, $0x3  }
0x34: {  	s0 =	smin.u32 s6, $0x1869F;
	s10 =	sand.u32 $0x70, s31;
	vm8 =	veq.s32 v2, s11;
	v3 =	vnsel vm0, $0x0, v0;
	v5 =	vnsel vm5, $0x0, v4;
	s2 =	sand.u32 $0xFFFFFC00, s1  }
0x35: {  	s3 =	sand.u32 $0x70, s29;
	s4 =	sand.u32 $0xFFFFFC00, s9;
	v0 =	vnsel vm1, $0x0, v0;
	v4 =	vnsel vm6, $0x0, v4;
	v3 =	vadd.f32 v5, v3;
	s6 =	sor.u32 s10, s2  }
0x36: {  	vm7 =	veq.s32 v1, s11;
	s14 =	ssub.s32 s0, s7;
	s5 =	sor.u32 s3, s4;
	v0 =	vadd.f32 v4, v0;
	v5 =	vnsel vm8, $0x0, v27;
	v6 =	vld [tilespmem:s6+$0x80]  }
0x37: {  	v28 =	vnsel vm7, $0x0, v27;
	vm9 =	veq.s32 v2, s14;
	v30 =	vld [tilespmem:s5+$0x80];
	v3 =	vadd.f32 v3, v5  }
0x38: {  	vm10 =	veq.s32 v1, s14;
	v31 =	vnsel vm9, $0x0, v29;
	v0 =	vadd.f32 v0, v28  }
0x39: {  	v32 =	vnsel vm10, $0x0, v29;
	v1 =	vadd.f32 v3, v31  }
0x3a: {  	v0 =	vadd.f32 v0, v32  }
0x3b: {  	vm11 =	vlt.f32 v1, $0.0e+00;
	vm12 =	vgt.f32 v1, $0.0e+00;
	v3 =	vmul.f32 v1, v6  }
0x3c: {  	v2 =	vmul.f32 v0, v30;
	vm0 =	vmor vm12, vm11  }
0x3d: {  	v3 =	vnsel vm0, $0x0, v3  }
0x3e: {  	v2 =	vadd.f32 v3, v2;
	_ =	sdelay $0x1  }
0x3f: {  	[tilespmem:$0x1100] =	vst v2  }
0x40: {  	v33 =	vld [tilespmem:$0x1108];
	_ =	sdelay $0x4  }
0x41: {  	v2 =	vadd.f32 v2, v33;
	_ =	sdelay $0x1  }
0x42: {  	[tilespmem:$0x1100] =	vst v2  }
0x43: {  	v34 =	vld [tilespmem:$0x1104];
	_ =	sdelay $0x4  }
0x44: {  	v2 =	vadd.f32 v2, v34;
	_ =	sdelay $0x1  }
0x45: {  	[tilespmem:$0x1100] =	vst v2  }
0x46: {  	v35 =	vld [tilespmem:$0x1102];
	_ =	sdelay $0x4  }
0x47: {  	v2 =	vadd.f32 v2, v35;
	_ =	sdelay $0x1  }
0x48: {  	[tilespmem:$0x1100] =	vst v2  }
0x49: {  	v36 =	vld [tilespmem:s6+$0x100]  }
0x4a: {  	v37 =	vld [tilespmem:s5+$0x100];
	_ =	sdelay $0x3  }
0x4b: {  	v3 =	vmul.f32 v1, v36  }
0x4c: {  	v4 =	vmul.f32 v0, v37  }
0x4d: {  	v3 =	vnsel vm0, $0x0, v3  }
0x4e: {  	v3 =	vadd.f32 v3, v4;
	_ =	sdelay $0x1  }
0x4f: {  	[tilespmem:$0x1120] =	vst v3  }
0x50: {  	v38 =	vld [tilespmem:$0x1128];
	_ =	sdelay $0x4  }
0x51: {  	v3 =	vadd.f32 v3, v38;
	_ =	sdelay $0x1  }
0x52: {  	[tilespmem:$0x1120] =	vst v3  }
0x53: {  	v39 =	vld [tilespmem:$0x1124];
	_ =	sdelay $0x4  }
0x54: {  	v3 =	vadd.f32 v3, v39;
	_ =	sdelay $0x1  }
0x55: {  	[tilespmem:$0x1120] =	vst v3  }
0x56: {  	v40 =	vld [tilespmem:$0x1122];
	_ =	sdelay $0x4  }
0x57: {  	v3 =	vadd.f32 v3, v40;
	_ =	sdelay $0x1  }
0x58: {  	[tilespmem:$0x1120] =	vst v3  }
0x59: {  	v41 =	vld [tilespmem:s6+$0x180]  }
0x5a: {  	v42 =	vld [tilespmem:s5+$0x180];
	_ =	sdelay $0x3  }
0x5b: {  	v4 =	vmul.f32 v1, v41  }
0x5c: {  	v5 =	vmul.f32 v0, v42  }
0x5d: {  	v4 =	vnsel vm0, $0x0, v4  }
0x5e: {  	v4 =	vadd.f32 v4, v5;
	_ =	sdelay $0x1  }
0x5f: {  	[tilespmem:$0x1140] =	vst v4  }
0x60: {  	v43 =	vld [tilespmem:$0x1148];
	_ =	sdelay $0x4  }
0x61: {  	v4 =	vadd.f32 v4, v43;
	_ =	sdelay $0x1  }
0x62: {  	[tilespmem:$0x1140] =	vst v4  }
0x63: {  	v44 =	vld [tilespmem:$0x1144];
	_ =	sdelay $0x4  }
0x64: {  	v4 =	vadd.f32 v4, v44;
	_ =	sdelay $0x1  }
0x65: {  	[tilespmem:$0x1140] =	vst v4  }
0x66: {  	v45 =	vld [tilespmem:$0x1142];
	_ =	sdelay $0x4  }
0x67: {  	v4 =	vadd.f32 v4, v45;
	_ =	sdelay $0x1  }
0x68: {  	[tilespmem:$0x1140] =	vst v4  }
0x69: {  	v46 =	vld [tilespmem:s6+$0x200]  }
0x6a: {  	v47 =	vld [tilespmem:s5+$0x200];
	_ =	sdelay $0x3  }
0x6b: {  	v5 =	vmul.f32 v46, v1  }
0x6c: {  	v6 =	vmul.f32 v47, v0  }
0x6d: {  	v5 =	vnsel vm0, $0x0, v5  }
0x6e: {  	v5 =	vadd.f32 v5, v6;
	_ =	sdelay $0x1  }
0x6f: {  	[tilespmem:$0x1160] =	vst v5  }
0x70: {  	v48 =	vld [tilespmem:$0x1168];
	_ =	sdelay $0x4  }
0x71: {  	v5 =	vadd.f32 v5, v48;
	_ =	sdelay $0x1  }
0x72: {  	[tilespmem:$0x1160] =	vst v5  }
0x73: {  	v49 =	vld [tilespmem:$0x1164];
	_ =	sdelay $0x4  }
0x74: {  	v5 =	vadd.f32 v49, v5;
	_ =	sdelay $0x1  }
0x75: {  	[tilespmem:$0x1160] =	vst v5  }
0x76: {  	v50 =	vld [tilespmem:$0x1162];
	_ =	sdelay $0x4  }
0x77: {  	v5 =	vadd.f32 v50, v5;
	_ =	sdelay $0x1  }
0x78: {  	[tilespmem:$0x1160] =	vst v5  }
0x79: {  	v51 =	vld [tilespmem:s6+$0x280]  }
0x7a: {  	v7 =	vld [tilespmem:s5+$0x280];
	_ =	sdelay $0x3  }
0x7b: {  	v6 =	vmul.f32 v51, v1  }
0x7c: {  	v7 =	vmul.f32 v7, v0  }
0x7d: {  	v6 =	vnsel vm0, $0x0, v6  }
0x7e: {  	v6 =	vadd.f32 v6, v7;
	_ =	sdelay $0x1  }
0x7f: {  	[tilespmem:$0x1180] =	vst v6  }
0x80: {  	v52 =	vld [tilespmem:$0x1188];
	_ =	sdelay $0x4  }
0x81: {  	v6 =	vadd.f32 v6, v52;
	_ =	sdelay $0x1  }
0x82: {  	[tilespmem:$0x1180] =	vst v6  }
0x83: {  	v53 =	vld [tilespmem:$0x1184];
	_ =	sdelay $0x4  }
0x84: {  	v6 =	vadd.f32 v53, v6;
	_ =	sdelay $0x1  }
0x85: {  	[tilespmem:$0x1180] =	vst v6  }
0x86: {  	v54 =	vld [tilespmem:$0x1182];
	_ =	sdelay $0x4  }
0x87: {  	v6 =	vadd.f32 v54, v6;
	_ =	sdelay $0x1  }
0x88: {  	[tilespmem:$0x1180] =	vst v6  }
0x89: {  	v55 =	vld [tilespmem:s6+$0x300]  }
0x8a: {  	v8 =	vld [tilespmem:s5+$0x300];
	_ =	sdelay $0x3  }
0x8b: {  	v7 =	vmul.f32 v55, v1  }
0x8c: {  	v8 =	vmul.f32 v8, v0  }
0x8d: {  	v7 =	vnsel vm0, $0x0, v7  }
0x8e: {  	v7 =	vadd.f32 v7, v8;
	_ =	sdelay $0x1  }
0x8f: {  	[tilespmem:$0x11A0] =	vst v7  }
0x90: {  	v56 =	vld [tilespmem:$0x11A8];
	_ =	sdelay $0x4  }
0x91: {  	v7 =	vadd.f32 v7, v56;
	_ =	sdelay $0x1  }
0x92: {  	[tilespmem:$0x11A0] =	vst v7  }
0x93: {  	v57 =	vld [tilespmem:$0x11A4];
	_ =	sdelay $0x4  }
0x94: {  	v7 =	vadd.f32 v57, v7;
	_ =	sdelay $0x1  }
0x95: {  	[tilespmem:$0x11A0] =	vst v7  }
0x96: {  	v58 =	vld [tilespmem:$0x11A2];
	_ =	sdelay $0x4  }
0x97: {  	v7 =	vadd.f32 v58, v7;
	_ =	sdelay $0x1  }
0x98: {  	[tilespmem:$0x11A0] =	vst v7  }
0x99: {  	v59 =	vld [tilespmem:s6+$0x380]  }
0x9a: {  	v9 =	vld [tilespmem:s5+$0x380];
	_ =	sdelay $0x3  }
0x9b: {  	v8 =	vmul.f32 v59, v1  }
0x9c: {  	v9 =	vmul.f32 v9, v0  }
0x9d: {  	v8 =	vnsel vm0, $0x0, v8  }
0x9e: {  	v8 =	vadd.f32 v8, v9;
	_ =	sdelay $0x1  }
0x9f: {  	[tilespmem:$0x11C0] =	vst v8  }
0xa0: {  	v60 =	vld [tilespmem:$0x11C8];
	_ =	sdelay $0x4  }
0xa1: {  	v8 =	vadd.f32 v8, v60;
	_ =	sdelay $0x1  }
0xa2: {  	[tilespmem:$0x11C0] =	vst v8  }
0xa3: {  	v61 =	vld [tilespmem:$0x11C4];
	_ =	sdelay $0x4  }
0xa4: {  	v8 =	vadd.f32 v61, v8;
	_ =	sdelay $0x1  }
0xa5: {  	[tilespmem:$0x11C0] =	vst v8  }
0xa6: {  	v62 =	vld [tilespmem:$0x11C2];
	_ =	sdelay $0x4  }
0xa7: {  	v8 =	vadd.f32 v62, v8  }
0xa8: {  	s8 =	sor.u32 s1, s10  }
0xa9: {  	s9 =	sor.u32 s3, s9;
	s8 =	sor.u32 $0x380, s8;
	[tilespmem:$0x11C0] =	vst v8  }
0xaa: {  	s9 =	sor.u32 $0x380, s9;
	v63 =	vld [tilespmem:s8+$0x80]  }
0xab: {  	v10 =	vld [tilespmem:s9+$0x80];
	_ =	sdelay $0x3  }
0xac: {  	v9 =	vmul.f32 v63, v1  }
0xad: {  	v10 =	vmul.f32 v10, v0  }
0xae: {  	v9 =	vnsel vm0, $0x0, v9  }
0xaf: {  	v9 =	vadd.f32 v9, v10;
	_ =	sdelay $0x1  }
0xb0: {  	[tilespmem:$0x11E0] =	vst v9  }
0xb1: {  	v12 =	vld [tilespmem:$0x11E8];
	_ =	sdelay $0x4  }
0xb2: {  	v9 =	vadd.f32 v9, v12;
	_ =	sdelay $0x1  }
0xb3: {  	[tilespmem:$0x11E0] =	vst v9  }
0xb4: {  	v13 =	vld [tilespmem:$0x11E4];
	_ =	sdelay $0x4  }
0xb5: {  	v9 =	vadd.f32 v13, v9;
	_ =	sdelay $0x1  }
0xb6: {  	[tilespmem:$0x11E0] =	vst v9  }
0xb7: {  	v14 =	vld [tilespmem:$0x11E2];
	_ =	sdelay $0x4  }
0xb8: {  	v9 =	vadd.f32 v14, v9;
	_ =	sdelay $0x1  }
0xb9: {  	[tilespmem:$0x11E0] =	vst v9  }
0xba: {  	v15 =	vld [tilespmem:s6+$0x880]  }
0xbb: {  	v11 =	vld [tilespmem:s5+$0x880];
	_ =	sdelay $0x3  }
0xbc: {  	v10 =	vmul.f32 v15, v1  }
0xbd: {  	v11 =	vmul.f32 v11, v0  }
0xbe: {  	v10 =	vnsel vm0, $0x0, v10  }
0xbf: {  	v10 =	vadd.f32 v10, v11;
	_ =	sdelay $0x1  }
0xc0: {  	[tilespmem:$0x1200] =	vst v10  }
0xc1: {  	v16 =	vld [tilespmem:$0x1208];
	_ =	sdelay $0x4  }
0xc2: {  	v10 =	vadd.f32 v10, v16;
	_ =	sdelay $0x1  }
0xc3: {  	[tilespmem:$0x1200] =	vst v10  }
0xc4: {  	v17 =	vld [tilespmem:$0x1204];
	_ =	sdelay $0x4  }
0xc5: {  	v10 =	vadd.f32 v17, v10;
	_ =	sdelay $0x1  }
0xc6: {  	[tilespmem:$0x1200] =	vst v10  }
0xc7: {  	v18 =	vld [tilespmem:$0x1202];
	_ =	sdelay $0x4  }
0xc8: {  	v10 =	vadd.f32 v18, v10;
	_ =	sdelay $0x1  }
0xc9: {  	[tilespmem:$0x1200] =	vst v10  }
0xca: {  	v19 =	vld [tilespmem:s6+$0x900]  }
0xcb: {  	v12 =	vld [tilespmem:s5+$0x900];
	_ =	sdelay $0x3  }
0xcc: {  	v11 =	vmul.f32 v19, v1  }
0xcd: {  	v12 =	vmul.f32 v12, v0  }
0xce: {  	v11 =	vnsel vm0, $0x0, v11  }
0xcf: {  	v11 =	vadd.f32 v11, v12;
	_ =	sdelay $0x1  }
0xd0: {  	[tilespmem:$0x1220] =	vst v11  }
0xd1: {  	v20 =	vld [tilespmem:$0x1228];
	_ =	sdelay $0x4  }
0xd2: {  	v11 =	vadd.f32 v11, v20;
	_ =	sdelay $0x1  }
0xd3: {  	[tilespmem:$0x1220] =	vst v11  }
0xd4: {  	v21 =	vld [tilespmem:$0x1224];
	_ =	sdelay $0x4  }
0xd5: {  	v11 =	vadd.f32 v21, v11;
	_ =	sdelay $0x1  }
0xd6: {  	[tilespmem:$0x1220] =	vst v11  }
0xd7: {  	v22 =	vld [tilespmem:$0x1222];
	_ =	sdelay $0x4  }
0xd8: {  	v11 =	vadd.f32 v22, v11;
	_ =	sdelay $0x1  }
0xd9: {  	[tilespmem:$0x1220] =	vst v11  }
0xda: {  	v23 =	vld [tilespmem:s6+$0x980]  }
0xdb: {  	v13 =	vld [tilespmem:s5+$0x980];
	_ =	sdelay $0x3  }
0xdc: {  	v12 =	vmul.f32 v23, v1  }
0xdd: {  	v13 =	vmul.f32 v13, v0  }
0xde: {  	v12 =	vnsel vm0, $0x0, v12  }
0xdf: {  	v12 =	vadd.f32 v12, v13;
	_ =	sdelay $0x1  }
0xe0: {  	[tilespmem:$0x1240] =	vst v12  }
0xe1: {  	v24 =	vld [tilespmem:$0x1248];
	_ =	sdelay $0x4  }
0xe2: {  	v12 =	vadd.f32 v12, v24;
	_ =	sdelay $0x1  }
0xe3: {  	[tilespmem:$0x1240] =	vst v12  }
0xe4: {  	v25 =	vld [tilespmem:$0x1244];
	_ =	sdelay $0x4  }
0xe5: {  	v12 =	vadd.f32 v25, v12;
	_ =	sdelay $0x1  }
0xe6: {  	[tilespmem:$0x1240] =	vst v12  }
0xe7: {  	v26 =	vld [tilespmem:$0x1242];
	_ =	sdelay $0x4  }
0xe8: {  	v12 =	vadd.f32 v26, v12;
	_ =	sdelay $0x1  }
0xe9: {  	[tilespmem:$0x1240] =	vst v12  }
0xea: {  	v27 =	vld [tilespmem:s6+$0xA00]  }
0xeb: {  	v14 =	vld [tilespmem:s5+$0xA00];
	_ =	sdelay $0x3  }
0xec: {  	v13 =	vmul.f32 v27, v1  }
0xed: {  	v14 =	vmul.f32 v14, v0  }
0xee: {  	v13 =	vnsel vm0, $0x0, v13  }
0xef: {  	v13 =	vadd.f32 v13, v14;
	_ =	sdelay $0x1  }
0xf0: {  	[tilespmem:$0x1260] =	vst v13  }
0xf1: {  	v28 =	vld [tilespmem:$0x1268];
	_ =	sdelay $0x4  }
0xf2: {  	v13 =	vadd.f32 v13, v28;
	_ =	sdelay $0x1  }
0xf3: {  	[tilespmem:$0x1260] =	vst v13  }
0xf4: {  	v29 =	vld [tilespmem:$0x1264];
	_ =	sdelay $0x4  }
0xf5: {  	v13 =	vadd.f32 v29, v13;
	_ =	sdelay $0x1  }
0xf6: {  	[tilespmem:$0x1260] =	vst v13  }
0xf7: {  	v30 =	vld [tilespmem:$0x1262];
	_ =	sdelay $0x4  }
0xf8: {  	v13 =	vadd.f32 v30, v13;
	_ =	sdelay $0x1  }
0xf9: {  	[tilespmem:$0x1260] =	vst v13  }
0xfa: {  	v31 =	vld [tilespmem:s6+$0xA80]  }
0xfb: {  	v15 =	vld [tilespmem:s5+$0xA80];
	_ =	sdelay $0x3  }
0xfc: {  	v14 =	vmul.f32 v31, v1  }
0xfd: {  	v15 =	vmul.f32 v15, v0  }
0xfe: {  	v14 =	vnsel vm0, $0x0, v14  }
0xff: {  	v14 =	vadd.f32 v14, v15;
	_ =	sdelay $0x1  }
0x100: {  	[tilespmem:$0x1280] =	vst v14  }
0x101: {  	v32 =	vld [tilespmem:$0x1288];
	_ =	sdelay $0x4  }
0x102: {  	v14 =	vadd.f32 v14, v32;
	_ =	sdelay $0x1  }
0x103: {  	[tilespmem:$0x1280] =	vst v14  }
0x104: {  	v33 =	vld [tilespmem:$0x1284];
	_ =	sdelay $0x4  }
0x105: {  	v14 =	vadd.f32 v33, v14;
	_ =	sdelay $0x1  }
0x106: {  	[tilespmem:$0x1280] =	vst v14  }
0x107: {  	v34 =	vld [tilespmem:$0x1282];
	_ =	sdelay $0x4  }
0x108: {  	v14 =	vadd.f32 v34, v14;
	_ =	sdelay $0x1  }
0x109: {  	[tilespmem:$0x1280] =	vst v14  }
0x10a: {  	v35 =	vld [tilespmem:s6+$0xB00]  }
0x10b: {  	v16 =	vld [tilespmem:s5+$0xB00];
	_ =	sdelay $0x3  }
0x10c: {  	v15 =	vmul.f32 v35, v1  }
0x10d: {  	v16 =	vmul.f32 v16, v0  }
0x10e: {  	v15 =	vnsel vm0, $0x0, v15  }
0x10f: {  	v15 =	vadd.f32 v15, v16;
	_ =	sdelay $0x1  }
0x110: {  	[tilespmem:$0x12A0] =	vst v15  }
0x111: {  	v36 =	vld [tilespmem:$0x12A8];
	_ =	sdelay $0x4  }
0x112: {  	v15 =	vadd.f32 v15, v36;
	_ =	sdelay $0x1  }
0x113: {  	[tilespmem:$0x12A0] =	vst v15  }
0x114: {  	v37 =	vld [tilespmem:$0x12A4];
	_ =	sdelay $0x4  }
0x115: {  	v15 =	vadd.f32 v37, v15;
	_ =	sdelay $0x1  }
0x116: {  	[tilespmem:$0x12A0] =	vst v15  }
0x117: {  	v38 =	vld [tilespmem:$0x12A2];
	_ =	sdelay $0x4  }
0x118: {  	v15 =	vadd.f32 v38, v15;
	_ =	sdelay $0x1  }
0x119: {  	[tilespmem:$0x12A0] =	vst v15  }
0x11a: {  	v39 =	vld [tilespmem:s6+$0xB80]  }
0x11b: {  	v17 =	vld [tilespmem:s5+$0xB80];
	_ =	sdelay $0x3  }
0x11c: {  	v16 =	vmul.f32 v39, v1  }
0x11d: {  	v17 =	vmul.f32 v17, v0  }
0x11e: {  	v16 =	vnsel vm0, $0x0, v16  }
0x11f: {  	v16 =	vadd.f32 v16, v17;
	_ =	sdelay $0x1  }
0x120: {  	[tilespmem:$0x12C0] =	vst v16  }
0x121: {  	v40 =	vld [tilespmem:$0x12C8];
	_ =	sdelay $0x4  }
0x122: {  	v16 =	vadd.f32 v16, v40;
	_ =	sdelay $0x1  }
0x123: {  	[tilespmem:$0x12C0] =	vst v16  }
0x124: {  	v41 =	vld [tilespmem:$0x12C4];
	_ =	sdelay $0x4  }
0x125: {  	v16 =	vadd.f32 v41, v16;
	_ =	sdelay $0x1  }
0x126: {  	[tilespmem:$0x12C0] =	vst v16  }
0x127: {  	v42 =	vld [tilespmem:$0x12C2];
	_ =	sdelay $0x4  }
0x128: {  	v16 =	vadd.f32 v42, v16;
	_ =	sdelay $0x1  }
0x129: {  	[tilespmem:$0x12C0] =	vst v16  }
0x12a: {  	v43 =	vld [tilespmem:s6+$0xC00]  }
0x12b: {  	v18 =	vld [tilespmem:s5+$0xC00];
	_ =	sdelay $0x3  }
0x12c: {  	v44 =	vld [tilespmem:$0x1101];
	v1 =	vmul.f32 v43, v1  }
0x12d: {  	v0 =	vmul.f32 v18, v0  }
0x12e: {  	v45 =	vld [tilespmem:$0x1121];
	v1 =	vnsel vm0, $0x0, v1  }
0x12f: {  	v0 =	vadd.f32 v1, v0  }
0x130: {  	(v2sf) =	vpush v2, $0x0;
	v46 =	vld [tilespmem:$0x1141]  }
0x131: {  	(v2sf) =	vpush v44, $0x0;
	v47 =	vld [tilespmem:$0x1161];
	[tilespmem:$0x12E0] =	vst v0  }
0x132: {  	(v2sf) =	vpush v3, $0x0;
	v48 =	vld [tilespmem:$0x12E8]  }
0x133: {  	(v2sf) =	vpush v45, $0x0  }
0x134: {  	(v2sf) =	vpush v4, $0x0;
	v49 =	vld [tilespmem:$0x1181]  }
0x135: {  	(v2sf) =	vpush v46, $0x0  }
0x136: {  	(v2sf) =	vpush v5, $0x0;
	v50 =	vld [tilespmem:$0x11A1]  }
0x137: {  	(v2sf) =	vpush v47, $0x0;
	v0 =	vadd.f32 v0, v48  }
0x138: {  	(v2sf) =	vpush v6, $0x0;
	v51 =	vld [tilespmem:$0x11C1]  }
0x139: {  	(v2sf) =	vpush v49, $0x0;
	v52 =	vld [tilespmem:$0x11E1];
	[tilespmem:$0x12E0] =	vst v0  }
0x13a: {  	(v2sf) =	vpush v7, $0x0;
	v53 =	vld [tilespmem:$0x12E4]  }
0x13b: {  	(v2sf) =	vpush v50, $0x0  }
0x13c: {  	(v2sf) =	vpush v8, $0x0;
	v54 =	vld [tilespmem:$0x1201]  }
0x13d: {  	(v2sf) =	vpush v51, $0x0  }
0x13e: {  	(v2sf) =	vpush v9, $0x0;
	v55 =	vld [tilespmem:$0x1221]  }
0x13f: {  	s8 =	spop (v2sf);
	(v2sf) =	vpush v52, $0x0;
	v0 =	vadd.f32 v53, v0  }
0x140: {  	s7 =	spop (v2sf);
	(v2sf) =	vpush v10, $0x0;
	v56 =	vld [tilespmem:$0x1241]  }
0x141: {  	[dreg:$0x5] =	wrdreg s8;
	s8 =	spop (v2sf);
	(v2sf) =	vpush v54, $0x0;
	v57 =	vld [tilespmem:$0x1261];
	[tilespmem:$0x12E0] =	vst v0  }
0x142: {  	s9 =	spop (v2sf);
	(v2sf) =	vpush v11, $0x0;
	v58 =	vld [tilespmem:$0x12E2]  }
0x143: {  	s10 =	spop (v2sf);
	(v2sf) =	vpush v55, $0x0  }
0x144: {  	s11 =	spop (v2sf);
	(v2sf) =	vpush v12, $0x0;
	v59 =	vld [tilespmem:$0x1281]  }
0x145: {  	s12 =	spop (v2sf);
	(v2sf) =	vpush v56, $0x0  }
0x146: {  	s13 =	spop (v2sf);
	(v2sf) =	vpush v13, $0x0;
	v60 =	vld [tilespmem:$0x12A1]  }
0x147: {  	s14 =	spop (v2sf);
	(v2sf) =	vpush v57, $0x0;
	v0 =	vadd.f32 v58, v0  }
0x148: {  	s15 =	spop (v2sf);
	(v2sf) =	vpush v14, $0x0;
	v61 =	vld [tilespmem:$0x12C1]  }
0x149: {  	s16 =	spop (v2sf);
	(v2sf) =	vpush v59, $0x0;
	[tilespmem:$0x12E0] =	vst v0  }
0x14a: {  	s17 =	spop (v2sf);
	(v2sf) =	vpush v15, $0x0;
	v62 =	vld [tilespmem:$0x12E1]  }
0x14b: {  	s18 =	spop (v2sf);
	(v2sf) =	vpush v60, $0x0  }
0x14c: {  	s19 =	spop (v2sf);
	(v2sf) =	vpush v16, $0x0  }
0x14d: {  	s20 =	spop (v2sf);
	(v2sf) =	vpush v61, $0x0  }
0x14e: {  	s21 =	spop (v2sf);
	(v2sf) =	vpush v0, $0x0  }
0x14f: {  	s22 =	spop (v2sf);
	(v2sf) =	vpush v62, $0x0  }
0x150: {  	s23 =	spop (v2sf)  }
0x151: {  	s24 =	spop (v2sf)  }
0x152: {  	s25 =	spop (v2sf)  }
0x153: {  	s26 =	spop (v2sf)  }
0x154: {  	s28 =	spop (v2sf)  }
0x155: {  	s29 =	spop (v2sf)  }
0x156: {  	s30 =	spop (v2sf)  }
0x157: {  	s31 =	spop (v2sf)  }
0x158: {  	s1 =	spop (v2sf)  }
0x159: {  	s4 =	spop (v2sf)  }
0x15a: {  	s2 =	spop (v2sf)  }
0x15b: {  	s5 =	spop (v2sf)  }
0x15c: {  	s3 =	spop (v2sf)  }
0x15d: {  	s0 =	spop (v2sf)  }
0x15e: {  	s6 =	spop (v2sf)  }
0x15f: {  	s0 =	sadd.f32 s6, s0  }
0x160: {  	s6 =	rddreg [dreg:$0x5]  }
0x161: {  	s6 =	sadd.f32 s6, s7  }
0x162: {  	vm13 =	vcmask $0x300;
	s9 =	sadd.f32 s8, s9;
	v63 =	vmov s0  }
0x163: {  	vm14 =	vcmask $0x704;
	s11 =	sadd.f32 s10, s11;
	v0 =	vsel vm13, s6, v63  }
0x164: {  	vm15 =	vcmask $0xB08;
	s13 =	sadd.f32 s13, s12;
	v0 =	vsel vm14, s9, v0  }
0x165: {  	vm4 =	vcmask $0xF0C;
	s15 =	sadd.f32 s15, s14;
	v0 =	vsel vm15, s11, v0  }
0x166: {  	vm5 =	vcmask $0x1310;
	s17 =	sadd.f32 s17, s16;
	v0 =	vsel vm4, s13, v0  }
0x167: {  	vm6 =	vcmask $0x1714;
	s18 =	sadd.f32 s19, s18;
	v0 =	vsel vm5, s15, v0  }
0x168: {  	vm7 =	vcmask $0x1B18;
	s19 =	sadd.f32 s21, s20;
	v0 =	vsel vm6, s17, v0  }
0x169: {  	vm8 =	vcmask $0x1F1C;
	s20 =	sadd.f32 s23, s22;
	v0 =	vsel vm7, s18, v0  }
0x16a: {  	vm9 =	vcmask $0x2320;
	s21 =	sadd.f32 s25, s24;
	v0 =	vsel vm8, s19, v0  }
0x16b: {  	vm10 =	vcmask $0x2724;
	s22 =	sadd.f32 s28, s26;
	v0 =	vsel vm9, s20, v0  }
0x16c: {  	vm11 =	vcmask $0x2B28;
	s23 =	sadd.f32 s30, s29;
	v0 =	vsel vm10, s21, v0  }
0x16d: {  	vm12 =	vcmask $0x2F2C;
	s1 =	sadd.f32 s1, s31;
	v0 =	vsel vm11, s22, v0  }
0x16e: {  	s2 =	sadd.f32 s2, s4;
	vm13 =	vcmask $0x3330;
	v0 =	vsel vm12, s23, v0  }
0x16f: {  	s24 =	sadd.f32 s3, s5;
	vm14 =	vcmask $0x3734;
	v0 =	vsel vm13, s1, v0  }
0x170: {  	s25 =	rddreg [dreg:$0x4];
	vm15 =	vcmask $0x3B38;
	v0 =	vsel vm14, s2, v0  }
0x171: {  	s26 =	rddreg [dreg:$0x2];
	s28 =	simm.s32 $0x1080;
	s1 =	sshll.u32 s25, $0x1;
	v0 =	vsel vm15, s24, v0  }
0x172: {  	s29 =	simm.s32 $0x0;
	s30 =	simm.s32 $0x2;
	s0 =	sadd.s32 s26, s1;
	[tilespmem:$0x1080] =	vst v0  }
0x173: {  	[hbm4b:s0+s29] =	stream.linear.scatter [tilespmem:s28], [sflag:$0x2], $0x10, $0x38;
	[tilespmem:$0x1300] =	vst v63  }
0x174: {  	_ =	swait.ge [sflag:s30], $0x10  }
0x175: {  	[sflag:s30] =	ssyncset.done $0x0  }
0x176: {  	[sflag:s30] =	ssyncadd.s32 $0xFFFFFFF0  }
0x177: {  	[bflag:$0x0] =	sbarrier.arrive $0xFFFF  }
0x178: {  	_ =	sfence.sel $0x180000  }
0x179: {  	[bflag:$0x0] =	sbarrier.arrive $0xFFFF  }
0x17a: {  	_ =	strace $0x90000047  }
0x17b: {  	s31 =	stileid.u32;
	[bflag:$0x2] =	sbarrier.arrive $0xFFFF  }
0x17c: {  	p0 =	sne.s32 s31, $0x0;
	s0 =	rddreg [dreg:$0x3]  }
0x17d: {  	s0 =	sadd.s32 @!p0 $0x100000, s0  }
0x17e: {  	[sflag:s0] =	ssyncadd.tile.s32 @!p0 $0x1;
	_ =	shalt  }
.Lfunc_end2:
_tile_overlayer_lowered:
.L_overlay_start_2:
0x17f: {  	(tag) =	ssettag $0x2  }
0x180: {  	s0 =	rddreg [dreg:$0x0];
	s2 =	stileid.u32  }
0x181: {  	s1 =	rddreg [dreg:$0x1];
	p0 =	sne.s32 s2, $0x0  }
0x182: {  	s3 =	rddreg [dreg:$0x2];
	[bflag:$0x3] =	sbarrier.arrive $0xFFFF;
	s2 =	simm.s32 @!p0 $0x1C02  }
0x183: {  	[timem:s3], [sflag:s2] =	dma.local @!p0 [hbm:s0], s1  }
0x184: {  	s0 =	simm.s32 @!p0 $0x2  }
0x185: {  	_ =	swait.ge @!p0 [sflag:s0], s1  }
0x186: {  	s1 =	ssub.s32 @!p0 $0x0, s1;
	[sflag:s0] =	ssyncset.done @!p0 $0x0  }
0x187: {  	[sflag:s0] =	ssyncadd.s32 @!p0 s1  }
0x188: {  	[bflag:$0x3] =	sbarrier.arrive $0xFFFF  }
0x189: {  	_ =	shalt  }

</sc_bundles>
